<compile_context>
chip_gen: v7x
topology: tpu7x:2x2x1
jax: 0.10.2.dev20260603
libtpu: 0.0.44.dev20260713+nightly
codegen_flags: <defaults>
</compile_context>

<pallas_src>
import functools

import jax
import jax.numpy as jnp
from jax import lax
from jax.experimental import pallas as pl
from jax.experimental.pallas import tpu as pltpu
from jax.experimental.pallas import tpu_sc as plsc

_VOCAB = 1000000
_EMBED = 64
_B = 4096
_L = 200
_N = _B * _L

_NC = 2
_NS = 16
_NW = _NC * _NS
_PER_W = _N // _NW
_S = 1
_CH = _S * 128
_STEPS = _PER_W // _CH

_mesh = plsc.VectorSubcoreMesh(core_axis_name="c", subcore_axis_name="s")


@functools.partial(
    pl.kernel,
    mesh=_mesh,
    out_type=jax.ShapeDtypeStruct((_N, _EMBED), jnp.float32),
    scratch_types=[
        pltpu.VMEM((2, _S, 128), jnp.int32),
        pltpu.VMEM((2, _S, 128, 128), jnp.float32),
        pltpu.VMEM((2, _S, 128, _EMBED), jnp.float32),
        pltpu.SemaphoreType.DMA,
        pltpu.SemaphoreType.DMA,
        pltpu.SemaphoreType.DMA,
        pltpu.SemaphoreType.DMA,
        pltpu.SemaphoreType.DMA,
        pltpu.SemaphoreType.DMA,
    ],
    compiler_params=pltpu.CompilerParams(needs_layout_passes=False),
)
def _emb_lookup(x_hbm, table_hbm, out_hbm, idx2, rows2, outv2, g0, g1, s0, s1, i0, i1):
    wid = lax.axis_index("s") * _NC + lax.axis_index("c")
    base = wid * _PER_W
    gsems = (g0, g1)
    ssems = (s0, s1)
    isems = (i0, i1)

    def start_idx(ci, b):
        off = base + ci * _CH
        for k in range(_S):
            pltpu.make_async_copy(
                x_hbm.at[pl.ds(off + k * 128, 128)], idx2.at[b, k], isems[b]
            ).start()

    def wait_idx(ci, b):
        off = base + ci * _CH
        for k in range(_S):
            pltpu.make_async_copy(
                x_hbm.at[pl.ds(off + k * 128, 128)], idx2.at[b, k], isems[b]
            ).wait()

    def start_chunk(ci, b):
        for k in range(_S):
            pltpu.make_async_copy(
                table_hbm.at[idx2.at[b, k]], rows2.at[b, k], gsems[b]
            ).start()

    def wait_chunk(b):
        for k in range(_S):
            pltpu.make_async_copy(
                table_hbm.at[idx2.at[b, k]], rows2.at[b, k], gsems[b]
            ).wait()

    def start_store(ci, b):
        off = base + ci * _CH
        for k in range(_S):
            pltpu.make_async_copy(
                outv2.at[b, k],
                out_hbm.at[pl.ds(off + k * 128, 128)],
                ssems[b],
            ).start()

    def wait_store(ci, b):
        off = base + ci * _CH
        for k in range(_S):
            pltpu.make_async_copy(
                outv2.at[b, k],
                out_hbm.at[pl.ds(off + k * 128, 128)],
                ssems[b],
            ).wait()

    def scale(b):
        def body(i, c):
            for k in range(_S):
                for j in range(_EMBED // 16):
                    sl = rows2[b, k, i, pl.ds(j * 16, 16)]
                    outv2[b, k, i, pl.ds(j * 16, 16)] = sl * 0.125
            return c

        lax.fori_loop(0, 128, body, 0)

    start_idx(0, 0)
    wait_idx(0, 0)
    start_chunk(0, 0)
    start_idx(1, 1)

    def step(it, carry):
        for b in range(2):
            ci = it * 2 + b
            nb = b ^ 1
            nci = ci + 1

            @pl.when(nci < _STEPS)
            def _prefetch():
                @pl.when(nci >= 2)
                def _drain():
                    wait_store(nci - 2, nb)

                wait_idx(nci, nb)
                start_chunk(nci, nb)

            wait_chunk(b)

            @pl.when(ci + 2 < _STEPS)
            def _idx_ahead():
                start_idx(ci + 2, b)

            scale(b)
            start_store(ci, b)
        return carry

    lax.fori_loop(0, _STEPS // 2, step, 0)

    wait_store(_STEPS - 2, 0)
    wait_store(_STEPS - 1, 1)


def kernel(x, table):
    xf = x.reshape(_N)
    t2 = jnp.pad(table, ((0, 0), (0, _EMBED)))
    out = _emb_lookup(xf, t2)
    return out.reshape(_B, _L, _EMBED)

# --- scband reference (transcript-rebuilt; emitter-appended) ---
"""Pipeline reference for scband-embeddings-38740605009956 (READ-ONLY COPY).

The authoritative reference and input builder live on the scoring server;
editing this copy changes nothing except your own understanding.
"""

import jax, jax.numpy as jnp
import numpy as np

VOCAB = 1000000
EMBED = 64
B = 4096
L = 200

def setup_inputs(seed: int = 0) -> dict:
    key = jax.random.key(seed)
    k_idx, k_tab = jax.random.split(key)
    x = jax.random.randint(k_idx, (B, L), 0, VOCAB, dtype=jnp.int64 if jax.config.jax_enable_x64 else jnp.int32)
    table = jax.random.normal(k_tab, (VOCAB, EMBED), dtype=jnp.float32)
    return {"x": x, "table": table}

def reference(x, table):
    sqrt = np.sqrt(EMBED)
    embeddings = jnp.take(table, x, axis=0) / sqrt
    return embeddings

if __name__ == "__main__":
    import jax
    _d = setup_inputs()
    print(jax.jit(kernel)(*tuple(_d.values())))

</pallas_src>

<mosaic_0001>
#map = affine_map<(d0, d1) -> (0)>
#map1 = affine_map<(d0, d1) -> (0, 0)>
module attributes {stable_mosaic.version = 14 : i64} {
  func.func @_emb_lookup(%arg0: i32, %arg1: i32, %arg2: memref<819200xi32, #tpu.memory_space<hbm>>, %arg3: memref<1000000x128xf32, #tpu.memory_space<hbm>>, %arg4: memref<819200x64xf32, #tpu.memory_space<hbm>>, %arg5: memref<2x1x128xi32, #tpu.memory_space<vmem>>, %arg6: memref<2x1x128x128xf32, #tpu.memory_space<vmem>>, %arg7: memref<2x1x128x64xf32, #tpu.memory_space<vmem>>, %arg8: memref<!tpu.dma_semaphore, #tpu.memory_space<semaphore_mem>>, %arg9: memref<!tpu.dma_semaphore, #tpu.memory_space<semaphore_mem>>, %arg10: memref<!tpu.dma_semaphore, #tpu.memory_space<semaphore_mem>>, %arg11: memref<!tpu.dma_semaphore, #tpu.memory_space<semaphore_mem>>, %arg12: memref<!tpu.dma_semaphore, #tpu.memory_space<semaphore_mem>>, %arg13: memref<!tpu.dma_semaphore, #tpu.memory_space<semaphore_mem>>) attributes {dimension_semantics = [#tpu.dimension_semantics<core_parallel>, #tpu.dimension_semantics<subcore_parallel>], iteration_bounds = array<i64: 2, 16>, scalar_prefetch = 0 : i64, scratch_operands = 9 : i64, tpu.core_type = #tpu.core_type<sc_vector_subcore>, window_params = [{transform_indices = #map}, {transform_indices = #map1}, {transform_indices = #map1}]} {
    %mul3A = arith.constant 2 : i32
    %mul3A_0 = arith.muli %arg1, %mul3A : i32
    %add3A = arith.addi %mul3A_0, %arg0 : i32
    %mul3A_1 = arith.constant 25600 : i32
    %mul3A_2 = arith.muli %add3A, %mul3A_1 : i32
    %add3A_3 = arith.constant 0 : i32
    %add3A_4 = arith.addi %mul3A_2, %add3A_3 : i32
    %add3A_5 = arith.constant 0 : i32
    %add3A_6 = arith.addi %add3A_4, %add3A_5 : i32
    %dma_start3A = arith.constant 0 : i32
    %dma_start3A_7 = arith.constant 0 : i32
    %dma_start3A_8 = arith.constant 0 : i32
    %dma_start3A_9 = tpu.memref_slice %arg5[%dma_start3A, %dma_start3A_7, %dma_start3A_8] : memref<2x1x128xi32, #tpu.memory_space<vmem>> -> memref<1x1x128xi32, #tpu.memory_space<vmem>>
    %dma_start3A_10 = tpu.memref_squeeze %dma_start3A_9 : memref<1x1x128xi32, #tpu.memory_space<vmem>> -> memref<128xi32, #tpu.memory_space<vmem>>
    %dma_start3A_11 = tpu.memref_slice %arg2[%add3A_6] : memref<819200xi32, #tpu.memory_space<hbm>> -> memref<128xi32, #tpu.memory_space<hbm>>
    %dma_start3A_12 = arith.constant 0 : i32
    %dma_start3A_13 = tpu.memref_slice %arg5[%dma_start3A, %dma_start3A_7, %dma_start3A_12] : memref<2x1x128xi32, #tpu.memory_space<vmem>> -> memref<1x1x128xi32, #tpu.memory_space<vmem>>
    %dma_start3A_14 = tpu.memref_squeeze %dma_start3A_13 : memref<1x1x128xi32, #tpu.memory_space<vmem>> -> memref<128xi32, #tpu.memory_space<vmem>>
    %dma_start3A_15 = tpu.memref_slice %arg2[%add3A_6] : memref<819200xi32, #tpu.memory_space<hbm>> -> memref<128xi32, #tpu.memory_space<hbm>>
    tpu.enqueue_dma source(%dma_start3A_15 : memref<128xi32, #tpu.memory_space<hbm>>) target(%dma_start3A_14 : memref<128xi32, #tpu.memory_space<vmem>>) target_semaphore(%arg12 : memref<!tpu.dma_semaphore, #tpu.memory_space<semaphore_mem>>)
    %add3A_16 = arith.constant 0 : i32
    %add3A_17 = arith.addi %mul3A_2, %add3A_16 : i32
    %add3A_18 = arith.constant 0 : i32
    %add3A_19 = arith.addi %add3A_17, %add3A_18 : i32
    %dma_wait3A = arith.constant 0 : i32
    %dma_wait3A_20 = arith.constant 0 : i32
    %dma_wait3A_21 = arith.constant 0 : i32
    %dma_wait3A_22 = tpu.memref_slice %arg5[%dma_wait3A, %dma_wait3A_20, %dma_wait3A_21] : memref<2x1x128xi32, #tpu.memory_space<vmem>> -> memref<1x1x128xi32, #tpu.memory_space<vmem>>
    %dma_wait3A_23 = tpu.memref_squeeze %dma_wait3A_22 : memref<1x1x128xi32, #tpu.memory_space<vmem>> -> memref<128xi32, #tpu.memory_space<vmem>>
    %dma_wait3A_24 = tpu.memref_slice %arg2[%add3A_19] : memref<819200xi32, #tpu.memory_space<hbm>> -> memref<128xi32, #tpu.memory_space<hbm>>
    %dma_wait3A_25 = arith.constant 0 : i32
    %dma_wait3A_26 = tpu.memref_slice %arg5[%dma_wait3A, %dma_wait3A_20, %dma_wait3A_25] : memref<2x1x128xi32, #tpu.memory_space<vmem>> -> memref<1x1x128xi32, #tpu.memory_space<vmem>>
    %dma_wait3A_27 = tpu.memref_squeeze %dma_wait3A_26 : memref<1x1x128xi32, #tpu.memory_space<vmem>> -> memref<128xi32, #tpu.memory_space<vmem>>
    %dma_wait3A_28 = tpu.memref_slice %arg2[%add3A_19] : memref<819200xi32, #tpu.memory_space<hbm>> -> memref<128xi32, #tpu.memory_space<hbm>>
    tpu.wait_dma2 semaphore(%arg12 : memref<!tpu.dma_semaphore, #tpu.memory_space<semaphore_mem>>) src(%dma_wait3A_28 : memref<128xi32, #tpu.memory_space<hbm>>) dst(%dma_wait3A_27 : memref<128xi32, #tpu.memory_space<vmem>>)
    %dma_start3A_29 = arith.constant 0 : i32
    %dma_start3A_30 = arith.constant 0 : i32
    %dma_start3A_31 = arith.constant 0 : i32
    %dma_start3A_32 = arith.constant 0 : i32
    %dma_start3A_33 = arith.constant 0 : i32
    %dma_start3A_34 = arith.constant 0 : i32
    %dma_start3A_35 = tpu.memref_slice %arg6[%dma_start3A_31, %dma_start3A_32, %dma_start3A_33, %dma_start3A_34] : memref<2x1x128x128xf32, #tpu.memory_space<vmem>> -> memref<1x1x128x128xf32, #tpu.memory_space<vmem>>
    %dma_start3A_36 = tpu.memref_squeeze %dma_start3A_35 : memref<1x1x128x128xf32, #tpu.memory_space<vmem>> -> memref<128x128xf32, #tpu.memory_space<vmem>>
    %dma_start3A_37 = arith.constant 0 : i32
    %dma_start3A_38 = tpu.memref_slice %arg5[%dma_start3A_29, %dma_start3A_30, %dma_start3A_37] : memref<2x1x128xi32, #tpu.memory_space<vmem>> -> memref<1x1x128xi32, #tpu.memory_space<vmem>>
    %dma_start3A_39 = tpu.memref_squeeze %dma_start3A_38 : memref<1x1x128xi32, #tpu.memory_space<vmem>> -> memref<128xi32, #tpu.memory_space<vmem>>
    %dma_start3A_40 = arith.constant 0 : i32
    %dma_start3A_41 = arith.constant 0 : i32
    %dma_start3A_42 = tpu.memref_slice %arg3[%dma_start3A_40, %dma_start3A_41] : memref<1000000x128xf32, #tpu.memory_space<hbm>> -> memref<1000000x128xf32, #tpu.memory_space<hbm>>
    tpu.enqueue_indirect_dma source(%dma_start3A_42 : memref<1000000x128xf32, #tpu.memory_space<hbm>>) target(%dma_start3A_36 : memref<128x128xf32, #tpu.memory_space<vmem>>) offsets(%dma_start3A_39 : memref<128xi32, #tpu.memory_space<vmem>>) semaphore(%arg8 : memref<!tpu.dma_semaphore, #tpu.memory_space<semaphore_mem>>)
    %add3A_43 = arith.constant 128 : i32
    %add3A_44 = arith.addi %mul3A_2, %add3A_43 : i32
    %add3A_45 = arith.constant 0 : i32
    %add3A_46 = arith.addi %add3A_44, %add3A_45 : i32
    %dma_start3A_47 = arith.constant 1 : i32
    %dma_start3A_48 = arith.constant 0 : i32
    %dma_start3A_49 = arith.constant 0 : i32
    %dma_start3A_50 = tpu.memref_slice %arg5[%dma_start3A_47, %dma_start3A_48, %dma_start3A_49] : memref<2x1x128xi32, #tpu.memory_space<vmem>> -> memref<1x1x128xi32, #tpu.memory_space<vmem>>
    %dma_start3A_51 = tpu.memref_squeeze %dma_start3A_50 : memref<1x1x128xi32, #tpu.memory_space<vmem>> -> memref<128xi32, #tpu.memory_space<vmem>>
    %dma_start3A_52 = tpu.memref_slice %arg2[%add3A_46] : memref<819200xi32, #tpu.memory_space<hbm>> -> memref<128xi32, #tpu.memory_space<hbm>>
    %dma_start3A_53 = arith.constant 0 : i32
    %dma_start3A_54 = tpu.memref_slice %arg5[%dma_start3A_47, %dma_start3A_48, %dma_start3A_53] : memref<2x1x128xi32, #tpu.memory_space<vmem>> -> memref<1x1x128xi32, #tpu.memory_space<vmem>>
    %dma_start3A_55 = tpu.memref_squeeze %dma_start3A_54 : memref<1x1x128xi32, #tpu.memory_space<vmem>> -> memref<128xi32, #tpu.memory_space<vmem>>
    %dma_start3A_56 = tpu.memref_slice %arg2[%add3A_46] : memref<819200xi32, #tpu.memory_space<hbm>> -> memref<128xi32, #tpu.memory_space<hbm>>
    tpu.enqueue_dma source(%dma_start3A_56 : memref<128xi32, #tpu.memory_space<hbm>>) target(%dma_start3A_55 : memref<128xi32, #tpu.memory_space<vmem>>) target_semaphore(%arg13 : memref<!tpu.dma_semaphore, #tpu.memory_space<semaphore_mem>>)
    %scan3A = arith.constant 0 : i32
    %scan3A_57 = arith.constant 0 : i32
    %scan3A_58 = arith.constant 100 : i32
    %scan3A_59 = arith.addi %scan3A_57, %scan3A_58 : i32
    %scan3A_60 = arith.constant 1 : i32
    scf.for %scan3A_98 = %scan3A_57 to %scan3A_59 step %scan3A_60  : i32 {
      %mul3A_99 = arith.constant 2 : i32
      %mul3A_100 = arith.muli %scan3A_98, %mul3A_99 : i32
      %add3A_101 = arith.constant 0 : i32
      %add3A_102 = arith.addi %mul3A_100, %add3A_101 : i32
      %add3A_103 = arith.constant 1 : i32
      %add3A_104 = arith.addi %add3A_102, %add3A_103 : i32
      %lt3A = arith.constant 200 : i32
      %lt3A_105 = arith.cmpi slt, %add3A_104, %lt3A : i32
      %convert_element_type3A = arith.extui %lt3A_105 : i1 to i32
      %cond3A = arith.constant 0 : i32
      %cond3A_106 = arith.cmpi ne, %convert_element_type3A, %cond3A : i32
      scf.if %cond3A_106 {
        %ge3A = arith.constant 2 : i32
        %ge3A_210 = arith.cmpi sge, %add3A_104, %ge3A : i32
        %convert_element_type3A_211 = arith.extui %ge3A_210 : i1 to i32
        %cond3A_212 = arith.constant 0 : i32
        %cond3A_213 = arith.cmpi ne, %convert_element_type3A_211, %cond3A_212 : i32
        scf.if %cond3A_213 {
          %sub3A = arith.constant 2 : i32
          %sub3A_243 = arith.subi %add3A_104, %sub3A : i32
          %mul3A_244 = arith.constant 128 : i32
          %mul3A_245 = arith.muli %sub3A_243, %mul3A_244 : i32
          %add3A_246 = arith.addi %mul3A_2, %mul3A_245 : i32
          %add3A_247 = arith.constant 0 : i32
          %add3A_248 = arith.addi %add3A_246, %add3A_247 : i32
          %dma_wait3A_249 = arith.constant 1 : i32
          %dma_wait3A_250 = arith.constant 0 : i32
          %dma_wait3A_251 = arith.constant 0 : i32
          %dma_wait3A_252 = arith.constant 0 : i32
          %dma_wait3A_253 = tpu.memref_slice %arg7[%dma_wait3A_249, %dma_wait3A_250, %dma_wait3A_251, %dma_wait3A_252] : memref<2x1x128x64xf32, #tpu.memory_space<vmem>> -> memref<1x1x128x64xf32, #tpu.memory_space<vmem>>
          %dma_wait3A_254 = tpu.memref_squeeze %dma_wait3A_253 : memref<1x1x128x64xf32, #tpu.memory_space<vmem>> -> memref<128x64xf32, #tpu.memory_space<vmem>>
          %dma_wait3A_255 = arith.constant 0 : i32
          %dma_wait3A_256 = tpu.memref_slice %arg4[%add3A_248, %dma_wait3A_255] : memref<819200x64xf32, #tpu.memory_space<hbm>> -> memref<128x64xf32, #tpu.memory_space<hbm>>
          %dma_wait3A_257 = arith.constant 0 : i32
          %dma_wait3A_258 = tpu.memref_slice %arg4[%add3A_248, %dma_wait3A_257] : memref<819200x64xf32, #tpu.memory_space<hbm>> -> memref<128x64xf32, #tpu.memory_space<hbm>>
          %dma_wait3A_259 = arith.constant 0 : i32
          %dma_wait3A_260 = arith.constant 0 : i32
          %dma_wait3A_261 = tpu.memref_slice %arg7[%dma_wait3A_249, %dma_wait3A_250, %dma_wait3A_259, %dma_wait3A_260] : memref<2x1x128x64xf32, #tpu.memory_space<vmem>> -> memref<1x1x128x64xf32, #tpu.memory_space<vmem>>
          %dma_wait3A_262 = tpu.memref_squeeze %dma_wait3A_261 : memref<1x1x128x64xf32, #tpu.memory_space<vmem>> -> memref<128x64xf32, #tpu.memory_space<vmem>>
          tpu.wait_dma2 semaphore(%arg11 : memref<!tpu.dma_semaphore, #tpu.memory_space<semaphore_mem>>) src(%dma_wait3A_262 : memref<128x64xf32, #tpu.memory_space<vmem>>) dst(%dma_wait3A_258 : memref<128x64xf32, #tpu.memory_space<hbm>>)
        } else {
        }
        %mul3A_214 = arith.constant 128 : i32
        %mul3A_215 = arith.muli %add3A_104, %mul3A_214 : i32
        %add3A_216 = arith.addi %mul3A_2, %mul3A_215 : i32
        %add3A_217 = arith.constant 0 : i32
        %add3A_218 = arith.addi %add3A_216, %add3A_217 : i32
        %dma_wait3A_219 = arith.constant 1 : i32
        %dma_wait3A_220 = arith.constant 0 : i32
        %dma_wait3A_221 = arith.constant 0 : i32
        %dma_wait3A_222 = tpu.memref_slice %arg5[%dma_wait3A_219, %dma_wait3A_220, %dma_wait3A_221] : memref<2x1x128xi32, #tpu.memory_space<vmem>> -> memref<1x1x128xi32, #tpu.memory_space<vmem>>
        %dma_wait3A_223 = tpu.memref_squeeze %dma_wait3A_222 : memref<1x1x128xi32, #tpu.memory_space<vmem>> -> memref<128xi32, #tpu.memory_space<vmem>>
        %dma_wait3A_224 = tpu.memref_slice %arg2[%add3A_218] : memref<819200xi32, #tpu.memory_space<hbm>> -> memref<128xi32, #tpu.memory_space<hbm>>
        %dma_wait3A_225 = arith.constant 0 : i32
        %dma_wait3A_226 = tpu.memref_slice %arg5[%dma_wait3A_219, %dma_wait3A_220, %dma_wait3A_225] : memref<2x1x128xi32, #tpu.memory_space<vmem>> -> memref<1x1x128xi32, #tpu.memory_space<vmem>>
        %dma_wait3A_227 = tpu.memref_squeeze %dma_wait3A_226 : memref<1x1x128xi32, #tpu.memory_space<vmem>> -> memref<128xi32, #tpu.memory_space<vmem>>
        %dma_wait3A_228 = tpu.memref_slice %arg2[%add3A_218] : memref<819200xi32, #tpu.memory_space<hbm>> -> memref<128xi32, #tpu.memory_space<hbm>>
        tpu.wait_dma2 semaphore(%arg13 : memref<!tpu.dma_semaphore, #tpu.memory_space<semaphore_mem>>) src(%dma_wait3A_228 : memref<128xi32, #tpu.memory_space<hbm>>) dst(%dma_wait3A_227 : memref<128xi32, #tpu.memory_space<vmem>>)
        %dma_start3A_229 = arith.constant 1 : i32
        %dma_start3A_230 = arith.constant 0 : i32
        %dma_start3A_231 = arith.constant 1 : i32
        %dma_start3A_232 = arith.constant 0 : i32
        %dma_start3A_233 = arith.constant 0 : i32
        %dma_start3A_234 = arith.constant 0 : i32
        %dma_start3A_235 = tpu.memref_slice %arg6[%dma_start3A_231, %dma_start3A_232, %dma_start3A_233, %dma_start3A_234] : memref<2x1x128x128xf32, #tpu.memory_space<vmem>> -> memref<1x1x128x128xf32, #tpu.memory_space<vmem>>
        %dma_start3A_236 = tpu.memref_squeeze %dma_start3A_235 : memref<1x1x128x128xf32, #tpu.memory_space<vmem>> -> memref<128x128xf32, #tpu.memory_space<vmem>>
        %dma_start3A_237 = arith.constant 0 : i32
        %dma_start3A_238 = tpu.memref_slice %arg5[%dma_start3A_229, %dma_start3A_230, %dma_start3A_237] : memref<2x1x128xi32, #tpu.memory_space<vmem>> -> memref<1x1x128xi32, #tpu.memory_space<vmem>>
        %dma_start3A_239 = tpu.memref_squeeze %dma_start3A_238 : memref<1x1x128xi32, #tpu.memory_space<vmem>> -> memref<128xi32, #tpu.memory_space<vmem>>
        %dma_start3A_240 = arith.constant 0 : i32
        %dma_start3A_241 = arith.constant 0 : i32
        %dma_start3A_242 = tpu.memref_slice %arg3[%dma_start3A_240, %dma_start3A_241] : memref<1000000x128xf32, #tpu.memory_space<hbm>> -> memref<1000000x128xf32, #tpu.memory_space<hbm>>
        tpu.enqueue_indirect_dma source(%dma_start3A_242 : memref<1000000x128xf32, #tpu.memory_space<hbm>>) target(%dma_start3A_236 : memref<128x128xf32, #tpu.memory_space<vmem>>) offsets(%dma_start3A_239 : memref<128xi32, #tpu.memory_space<vmem>>) semaphore(%arg9 : memref<!tpu.dma_semaphore, #tpu.memory_space<semaphore_mem>>)
      } else {
      }
      %dma_wait3A_107 = arith.constant 0 : i32
      %dma_wait3A_108 = arith.constant 0 : i32
      %dma_wait3A_109 = arith.constant 0 : i32
      %dma_wait3A_110 = arith.constant 0 : i32
      %dma_wait3A_111 = arith.constant 0 : i32
      %dma_wait3A_112 = arith.constant 0 : i32
      %dma_wait3A_113 = tpu.memref_slice %arg6[%dma_wait3A_109, %dma_wait3A_110, %dma_wait3A_111, %dma_wait3A_112] : memref<2x1x128x128xf32, #tpu.memory_space<vmem>> -> memref<1x1x128x128xf32, #tpu.memory_space<vmem>>
      %dma_wait3A_114 = tpu.memref_squeeze %dma_wait3A_113 : memref<1x1x128x128xf32, #tpu.memory_space<vmem>> -> memref<128x128xf32, #tpu.memory_space<vmem>>
      %dma_wait3A_115 = arith.constant 0 : i32
      %dma_wait3A_116 = tpu.memref_slice %arg5[%dma_wait3A_107, %dma_wait3A_108, %dma_wait3A_115] : memref<2x1x128xi32, #tpu.memory_space<vmem>> -> memref<1x1x128xi32, #tpu.memory_space<vmem>>
      %dma_wait3A_117 = tpu.memref_squeeze %dma_wait3A_116 : memref<1x1x128xi32, #tpu.memory_space<vmem>> -> memref<128xi32, #tpu.memory_space<vmem>>
      %dma_wait3A_118 = arith.constant 0 : i32
      %dma_wait3A_119 = arith.constant 0 : i32
      %dma_wait3A_120 = tpu.memref_slice %arg3[%dma_wait3A_118, %dma_wait3A_119] : memref<1000000x128xf32, #tpu.memory_space<hbm>> -> memref<1000000x128xf32, #tpu.memory_space<hbm>>
      tpu.wait_indirect_dma semaphore(%arg8 : memref<!tpu.dma_semaphore, #tpu.memory_space<semaphore_mem>>) src(%dma_wait3A_120 : memref<1000000x128xf32, #tpu.memory_space<hbm>>) dst(%dma_wait3A_114 : memref<128x128xf32, #tpu.memory_space<vmem>>)
      %add3A_121 = arith.constant 2 : i32
      %add3A_122 = arith.addi %add3A_102, %add3A_121 : i32
      %lt3A_123 = arith.constant 200 : i32
      %lt3A_124 = arith.cmpi slt, %add3A_122, %lt3A_123 : i32
      %convert_element_type3A_125 = arith.extui %lt3A_124 : i1 to i32
      %cond3A_126 = arith.constant 0 : i32
      %cond3A_127 = arith.cmpi ne, %convert_element_type3A_125, %cond3A_126 : i32
      scf.if %cond3A_127 {
        %add3A_210 = arith.constant 2 : i32
        %add3A_211 = arith.addi %add3A_102, %add3A_210 : i32
        %mul3A_212 = arith.constant 128 : i32
        %mul3A_213 = arith.muli %add3A_211, %mul3A_212 : i32
        %add3A_214 = arith.addi %mul3A_2, %mul3A_213 : i32
        %add3A_215 = arith.constant 0 : i32
        %add3A_216 = arith.addi %add3A_214, %add3A_215 : i32
        %dma_start3A_217 = arith.constant 0 : i32
        %dma_start3A_218 = arith.constant 0 : i32
        %dma_start3A_219 = arith.constant 0 : i32
        %dma_start3A_220 = tpu.memref_slice %arg5[%dma_start3A_217, %dma_start3A_218, %dma_start3A_219] : memref<2x1x128xi32, #tpu.memory_space<vmem>> -> memref<1x1x128xi32, #tpu.memory_space<vmem>>
        %dma_start3A_221 = tpu.memref_squeeze %dma_start3A_220 : memref<1x1x128xi32, #tpu.memory_space<vmem>> -> memref<128xi32, #tpu.memory_space<vmem>>
        %dma_start3A_222 = tpu.memref_slice %arg2[%add3A_216] : memref<819200xi32, #tpu.memory_space<hbm>> -> memref<128xi32, #tpu.memory_space<hbm>>
        %dma_start3A_223 = arith.constant 0 : i32
        %dma_start3A_224 = tpu.memref_slice %arg5[%dma_start3A_217, %dma_start3A_218, %dma_start3A_223] : memref<2x1x128xi32, #tpu.memory_space<vmem>> -> memref<1x1x128xi32, #tpu.memory_space<vmem>>
        %dma_start3A_225 = tpu.memref_squeeze %dma_start3A_224 : memref<1x1x128xi32, #tpu.memory_space<vmem>> -> memref<128xi32, #tpu.memory_space<vmem>>
        %dma_start3A_226 = tpu.memref_slice %arg2[%add3A_216] : memref<819200xi32, #tpu.memory_space<hbm>> -> memref<128xi32, #tpu.memory_space<hbm>>
        tpu.enqueue_dma source(%dma_start3A_226 : memref<128xi32, #tpu.memory_space<hbm>>) target(%dma_start3A_225 : memref<128xi32, #tpu.memory_space<vmem>>) target_semaphore(%arg12 : memref<!tpu.dma_semaphore, #tpu.memory_space<semaphore_mem>>)
      } else {
      }
      %scan3A_128 = arith.constant 0 : i32
      %scan3A_129 = arith.constant 0 : i32
      %scan3A_130 = arith.constant 128 : i32
      %scan3A_131 = arith.addi %scan3A_129, %scan3A_130 : i32
      %scan3A_132 = arith.constant 1 : i32
      scf.for %scan3A_210 = %scan3A_129 to %scan3A_131 step %scan3A_132  : i32 {
        %get3A = arith.constant 0 : i32
        %get3A_211 = arith.constant 0 : i32
        %get3A_212 = arith.index_cast %get3A : i32 to index
        %get3A_213 = arith.index_cast %get3A_211 : i32 to index
        %get3A_214 = arith.index_cast %scan3A_210 : i32 to index
        %get3A_215 = arith.constant 0 : index
        %get3A_216 = tpu.vector_load %arg6[%get3A_212, %get3A_213, %get3A_214, %get3A_215] {strides = array<i32>} : memref<2x1x128x128xf32, #tpu.memory_space<vmem>>, vector<16xf32>,
        %mul3A_217 = arith.constant 1.250000e-01 : f32
        %mul3A_218 = vector.broadcast %mul3A_217 : f32 to vector<16xf32>
        %mul3A_219 = arith.mulf %get3A_216, %mul3A_218 : vector<16xf32>
        %swap3A = arith.constant 0 : i32
        %swap3A_220 = arith.constant 0 : i32
        %swap3A_221 = arith.index_cast %swap3A : i32 to index
        %swap3A_222 = arith.index_cast %swap3A_220 : i32 to index
        %swap3A_223 = arith.index_cast %scan3A_210 : i32 to index
        %swap3A_224 = arith.constant 0 : index
        %swap3A_225 = tpu.vector_load %arg7[%swap3A_221, %swap3A_222, %swap3A_223, %swap3A_224] {strides = array<i32>} : memref<2x1x128x64xf32, #tpu.memory_space<vmem>>, vector<16xf32>,
        tpu.vector_store %arg7[%swap3A_221, %swap3A_222, %swap3A_223, %swap3A_224], %mul3A_219 {strides = array<i32>} : memref<2x1x128x64xf32, #tpu.memory_space<vmem>>, vector<16xf32>,
        %get3A_226 = arith.constant 0 : i32
        %get3A_227 = arith.constant 0 : i32
        %get3A_228 = arith.index_cast %get3A_226 : i32 to index
        %get3A_229 = arith.index_cast %get3A_227 : i32 to index
        %get3A_230 = arith.index_cast %scan3A_210 : i32 to index
        %get3A_231 = arith.constant 16 : index
        %get3A_232 = tpu.vector_load %arg6[%get3A_228, %get3A_229, %get3A_230, %get3A_231] {strides = array<i32>} : memref<2x1x128x128xf32, #tpu.memory_space<vmem>>, vector<16xf32>,
        %mul3A_233 = arith.constant 1.250000e-01 : f32
        %mul3A_234 = vector.broadcast %mul3A_233 : f32 to vector<16xf32>
        %mul3A_235 = arith.mulf %get3A_232, %mul3A_234 : vector<16xf32>
        %swap3A_236 = arith.constant 0 : i32
        %swap3A_237 = arith.constant 0 : i32
        %swap3A_238 = arith.index_cast %swap3A_236 : i32 to index
        %swap3A_239 = arith.index_cast %swap3A_237 : i32 to index
        %swap3A_240 = arith.index_cast %scan3A_210 : i32 to index
        %swap3A_241 = arith.constant 16 : index
        %swap3A_242 = tpu.vector_load %arg7[%swap3A_238, %swap3A_239, %swap3A_240, %swap3A_241] {strides = array<i32>} : memref<2x1x128x64xf32, #tpu.memory_space<vmem>>, vector<16xf32>,
        tpu.vector_store %arg7[%swap3A_238, %swap3A_239, %swap3A_240, %swap3A_241], %mul3A_235 {strides = array<i32>} : memref<2x1x128x64xf32, #tpu.memory_space<vmem>>, vector<16xf32>,
        %get3A_243 = arith.constant 0 : i32
        %get3A_244 = arith.constant 0 : i32
        %get3A_245 = arith.index_cast %get3A_243 : i32 to index
        %get3A_246 = arith.index_cast %get3A_244 : i32 to index
        %get3A_247 = arith.index_cast %scan3A_210 : i32 to index
        %get3A_248 = arith.constant 32 : index
        %get3A_249 = tpu.vector_load %arg6[%get3A_245, %get3A_246, %get3A_247, %get3A_248] {strides = array<i32>} : memref<2x1x128x128xf32, #tpu.memory_space<vmem>>, vector<16xf32>,
        %mul3A_250 = arith.constant 1.250000e-01 : f32
        %mul3A_251 = vector.broadcast %mul3A_250 : f32 to vector<16xf32>
        %mul3A_252 = arith.mulf %get3A_249, %mul3A_251 : vector<16xf32>
        %swap3A_253 = arith.constant 0 : i32
        %swap3A_254 = arith.constant 0 : i32
        %swap3A_255 = arith.index_cast %swap3A_253 : i32 to index
        %swap3A_256 = arith.index_cast %swap3A_254 : i32 to index
        %swap3A_257 = arith.index_cast %scan3A_210 : i32 to index
        %swap3A_258 = arith.constant 32 : index
        %swap3A_259 = tpu.vector_load %arg7[%swap3A_255, %swap3A_256, %swap3A_257, %swap3A_258] {strides = array<i32>} : memref<2x1x128x64xf32, #tpu.memory_space<vmem>>, vector<16xf32>,
        tpu.vector_store %arg7[%swap3A_255, %swap3A_256, %swap3A_257, %swap3A_258], %mul3A_252 {strides = array<i32>} : memref<2x1x128x64xf32, #tpu.memory_space<vmem>>, vector<16xf32>,
        %get3A_260 = arith.constant 0 : i32
        %get3A_261 = arith.constant 0 : i32
        %get3A_262 = arith.index_cast %get3A_260 : i32 to index
        %get3A_263 = arith.index_cast %get3A_261 : i32 to index
        %get3A_264 = arith.index_cast %scan3A_210 : i32 to index
        %get3A_265 = arith.constant 48 : index
        %get3A_266 = tpu.vector_load %arg6[%get3A_262, %get3A_263, %get3A_264, %get3A_265] {strides = array<i32>} : memref<2x1x128x128xf32, #tpu.memory_space<vmem>>, vector<16xf32>,
        %mul3A_267 = arith.constant 1.250000e-01 : f32
        %mul3A_268 = vector.broadcast %mul3A_267 : f32 to vector<16xf32>
        %mul3A_269 = arith.mulf %get3A_266, %mul3A_268 : vector<16xf32>
        %swap3A_270 = arith.constant 0 : i32
        %swap3A_271 = arith.constant 0 : i32
        %swap3A_272 = arith.index_cast %swap3A_270 : i32 to index
        %swap3A_273 = arith.index_cast %swap3A_271 : i32 to index
        %swap3A_274 = arith.index_cast %scan3A_210 : i32 to index
        %swap3A_275 = arith.constant 48 : index
        %swap3A_276 = tpu.vector_load %arg7[%swap3A_272, %swap3A_273, %swap3A_274, %swap3A_275] {strides = array<i32>} : memref<2x1x128x64xf32, #tpu.memory_space<vmem>>, vector<16xf32>,
        tpu.vector_store %arg7[%swap3A_272, %swap3A_273, %swap3A_274, %swap3A_275], %mul3A_269 {strides = array<i32>} : memref<2x1x128x64xf32, #tpu.memory_space<vmem>>, vector<16xf32>,
      }
      %scan3A_133 = arith.constant 128 : i32
      %mul3A_134 = arith.constant 128 : i32
      %mul3A_135 = arith.muli %add3A_102, %mul3A_134 : i32
      %add3A_136 = arith.addi %mul3A_2, %mul3A_135 : i32
      %add3A_137 = arith.constant 0 : i32
      %add3A_138 = arith.addi %add3A_136, %add3A_137 : i32
      %dma_start3A_139 = arith.constant 0 : i32
      %dma_start3A_140 = arith.constant 0 : i32
      %dma_start3A_141 = arith.constant 0 : i32
      %dma_start3A_142 = arith.constant 0 : i32
      %dma_start3A_143 = tpu.memref_slice %arg7[%dma_start3A_139, %dma_start3A_140, %dma_start3A_141, %dma_start3A_142] : memref<2x1x128x64xf32, #tpu.memory_space<vmem>> -> memref<1x1x128x64xf32, #tpu.memory_space<vmem>>
      %dma_start3A_144 = tpu.memref_squeeze %dma_start3A_143 : memref<1x1x128x64xf32, #tpu.memory_space<vmem>> -> memref<128x64xf32, #tpu.memory_space<vmem>>
      %dma_start3A_145 = arith.constant 0 : i32
      %dma_start3A_146 = tpu.memref_slice %arg4[%add3A_138, %dma_start3A_145] : memref<819200x64xf32, #tpu.memory_space<hbm>> -> memref<128x64xf32, #tpu.memory_space<hbm>>
      %dma_start3A_147 = arith.constant 0 : i32
      %dma_start3A_148 = tpu.memref_slice %arg4[%add3A_138, %dma_start3A_147] : memref<819200x64xf32, #tpu.memory_space<hbm>> -> memref<128x64xf32, #tpu.memory_space<hbm>>
      %dma_start3A_149 = arith.constant 0 : i32
      %dma_start3A_150 = arith.constant 0 : i32
      %dma_start3A_151 = tpu.memref_slice %arg7[%dma_start3A_139, %dma_start3A_140, %dma_start3A_149, %dma_start3A_150] : memref<2x1x128x64xf32, #tpu.memory_space<vmem>> -> memref<1x1x128x64xf32, #tpu.memory_space<vmem>>
      %dma_start3A_152 = tpu.memref_squeeze %dma_start3A_151 : memref<1x1x128x64xf32, #tpu.memory_space<vmem>> -> memref<128x64xf32, #tpu.memory_space<vmem>>
      tpu.enqueue_dma source(%dma_start3A_152 : memref<128x64xf32, #tpu.memory_space<vmem>>) target(%dma_start3A_148 : memref<128x64xf32, #tpu.memory_space<hbm>>) target_semaphore(%arg10 : memref<!tpu.dma_semaphore, #tpu.memory_space<semaphore_mem>>)
      %mul3A_153 = arith.constant 2 : i32
      %mul3A_154 = arith.muli %scan3A_98, %mul3A_153 : i32
      %add3A_155 = arith.constant 1 : i32
      %add3A_156 = arith.addi %mul3A_154, %add3A_155 : i32
      %add3A_157 = arith.constant 1 : i32
      %add3A_158 = arith.addi %add3A_156, %add3A_157 : i32
      %lt3A_159 = arith.constant 200 : i32
      %lt3A_160 = arith.cmpi slt, %add3A_158, %lt3A_159 : i32
      %convert_element_type3A_161 = arith.extui %lt3A_160 : i1 to i32
      %cond3A_162 = arith.constant 0 : i32
      %cond3A_163 = arith.cmpi ne, %convert_element_type3A_161, %cond3A_162 : i32
      scf.if %cond3A_163 {
        %ge3A = arith.constant 2 : i32
        %ge3A_210 = arith.cmpi sge, %add3A_158, %ge3A : i32
        %convert_element_type3A_211 = arith.extui %ge3A_210 : i1 to i32
        %cond3A_212 = arith.constant 0 : i32
        %cond3A_213 = arith.cmpi ne, %convert_element_type3A_211, %cond3A_212 : i32
        scf.if %cond3A_213 {
          %sub3A = arith.constant 2 : i32
          %sub3A_243 = arith.subi %add3A_158, %sub3A : i32
          %mul3A_244 = arith.constant 128 : i32
          %mul3A_245 = arith.muli %sub3A_243, %mul3A_244 : i32
          %add3A_246 = arith.addi %mul3A_2, %mul3A_245 : i32
          %add3A_247 = arith.constant 0 : i32
          %add3A_248 = arith.addi %add3A_246, %add3A_247 : i32
          %dma_wait3A_249 = arith.constant 0 : i32
          %dma_wait3A_250 = arith.constant 0 : i32
          %dma_wait3A_251 = arith.constant 0 : i32
          %dma_wait3A_252 = arith.constant 0 : i32
          %dma_wait3A_253 = tpu.memref_slice %arg7[%dma_wait3A_249, %dma_wait3A_250, %dma_wait3A_251, %dma_wait3A_252] : memref<2x1x128x64xf32, #tpu.memory_space<vmem>> -> memref<1x1x128x64xf32, #tpu.memory_space<vmem>>
          %dma_wait3A_254 = tpu.memref_squeeze %dma_wait3A_253 : memref<1x1x128x64xf32, #tpu.memory_space<vmem>> -> memref<128x64xf32, #tpu.memory_space<vmem>>
          %dma_wait3A_255 = arith.constant 0 : i32
          %dma_wait3A_256 = tpu.memref_slice %arg4[%add3A_248, %dma_wait3A_255] : memref<819200x64xf32, #tpu.memory_space<hbm>> -> memref<128x64xf32, #tpu.memory_space<hbm>>
          %dma_wait3A_257 = arith.constant 0 : i32
          %dma_wait3A_258 = tpu.memref_slice %arg4[%add3A_248, %dma_wait3A_257] : memref<819200x64xf32, #tpu.memory_space<hbm>> -> memref<128x64xf32, #tpu.memory_space<hbm>>
          %dma_wait3A_259 = arith.constant 0 : i32
          %dma_wait3A_260 = arith.constant 0 : i32
          %dma_wait3A_261 = tpu.memref_slice %arg7[%dma_wait3A_249, %dma_wait3A_250, %dma_wait3A_259, %dma_wait3A_260] : memref<2x1x128x64xf32, #tpu.memory_space<vmem>> -> memref<1x1x128x64xf32, #tpu.memory_space<vmem>>
          %dma_wait3A_262 = tpu.memref_squeeze %dma_wait3A_261 : memref<1x1x128x64xf32, #tpu.memory_space<vmem>> -> memref<128x64xf32, #tpu.memory_space<vmem>>
          tpu.wait_dma2 semaphore(%arg10 : memref<!tpu.dma_semaphore, #tpu.memory_space<semaphore_mem>>) src(%dma_wait3A_262 : memref<128x64xf32, #tpu.memory_space<vmem>>) dst(%dma_wait3A_258 : memref<128x64xf32, #tpu.memory_space<hbm>>)
        } else {
        }
        %mul3A_214 = arith.constant 128 : i32
        %mul3A_215 = arith.muli %add3A_158, %mul3A_214 : i32
        %add3A_216 = arith.addi %mul3A_2, %mul3A_215 : i32
        %add3A_217 = arith.constant 0 : i32
        %add3A_218 = arith.addi %add3A_216, %add3A_217 : i32
        %dma_wait3A_219 = arith.constant 0 : i32
        %dma_wait3A_220 = arith.constant 0 : i32
        %dma_wait3A_221 = arith.constant 0 : i32
        %dma_wait3A_222 = tpu.memref_slice %arg5[%dma_wait3A_219, %dma_wait3A_220, %dma_wait3A_221] : memref<2x1x128xi32, #tpu.memory_space<vmem>> -> memref<1x1x128xi32, #tpu.memory_space<vmem>>
        %dma_wait3A_223 = tpu.memref_squeeze %dma_wait3A_222 : memref<1x1x128xi32, #tpu.memory_space<vmem>> -> memref<128xi32, #tpu.memory_space<vmem>>
        %dma_wait3A_224 = tpu.memref_slice %arg2[%add3A_218] : memref<819200xi32, #tpu.memory_space<hbm>> -> memref<128xi32, #tpu.memory_space<hbm>>
        %dma_wait3A_225 = arith.constant 0 : i32
        %dma_wait3A_226 = tpu.memref_slice %arg5[%dma_wait3A_219, %dma_wait3A_220, %dma_wait3A_225] : memref<2x1x128xi32, #tpu.memory_space<vmem>> -> memref<1x1x128xi32, #tpu.memory_space<vmem>>
        %dma_wait3A_227 = tpu.memref_squeeze %dma_wait3A_226 : memref<1x1x128xi32, #tpu.memory_space<vmem>> -> memref<128xi32, #tpu.memory_space<vmem>>
        %dma_wait3A_228 = tpu.memref_slice %arg2[%add3A_218] : memref<819200xi32, #tpu.memory_space<hbm>> -> memref<128xi32, #tpu.memory_space<hbm>>
        tpu.wait_dma2 semaphore(%arg12 : memref<!tpu.dma_semaphore, #tpu.memory_space<semaphore_mem>>) src(%dma_wait3A_228 : memref<128xi32, #tpu.memory_space<hbm>>) dst(%dma_wait3A_227 : memref<128xi32, #tpu.memory_space<vmem>>)
        %dma_start3A_229 = arith.constant 0 : i32
        %dma_start3A_230 = arith.constant 0 : i32
        %dma_start3A_231 = arith.constant 0 : i32
        %dma_start3A_232 = arith.constant 0 : i32
        %dma_start3A_233 = arith.constant 0 : i32
        %dma_start3A_234 = arith.constant 0 : i32
        %dma_start3A_235 = tpu.memref_slice %arg6[%dma_start3A_231, %dma_start3A_232, %dma_start3A_233, %dma_start3A_234] : memref<2x1x128x128xf32, #tpu.memory_space<vmem>> -> memref<1x1x128x128xf32, #tpu.memory_space<vmem>>
        %dma_start3A_236 = tpu.memref_squeeze %dma_start3A_235 : memref<1x1x128x128xf32, #tpu.memory_space<vmem>> -> memref<128x128xf32, #tpu.memory_space<vmem>>
        %dma_start3A_237 = arith.constant 0 : i32
        %dma_start3A_238 = tpu.memref_slice %arg5[%dma_start3A_229, %dma_start3A_230, %dma_start3A_237] : memref<2x1x128xi32, #tpu.memory_space<vmem>> -> memref<1x1x128xi32, #tpu.memory_space<vmem>>
        %dma_start3A_239 = tpu.memref_squeeze %dma_start3A_238 : memref<1x1x128xi32, #tpu.memory_space<vmem>> -> memref<128xi32, #tpu.memory_space<vmem>>
        %dma_start3A_240 = arith.constant 0 : i32
        %dma_start3A_241 = arith.constant 0 : i32
        %dma_start3A_242 = tpu.memref_slice %arg3[%dma_start3A_240, %dma_start3A_241] : memref<1000000x128xf32, #tpu.memory_space<hbm>> -> memref<1000000x128xf32, #tpu.memory_space<hbm>>
        tpu.enqueue_indirect_dma source(%dma_start3A_242 : memref<1000000x128xf32, #tpu.memory_space<hbm>>) target(%dma_start3A_236 : memref<128x128xf32, #tpu.memory_space<vmem>>) offsets(%dma_start3A_239 : memref<128xi32, #tpu.memory_space<vmem>>) semaphore(%arg8 : memref<!tpu.dma_semaphore, #tpu.memory_space<semaphore_mem>>)
      } else {
      }
      %dma_wait3A_164 = arith.constant 1 : i32
      %dma_wait3A_165 = arith.constant 0 : i32
      %dma_wait3A_166 = arith.constant 1 : i32
      %dma_wait3A_167 = arith.constant 0 : i32
      %dma_wait3A_168 = arith.constant 0 : i32
      %dma_wait3A_169 = arith.constant 0 : i32
      %dma_wait3A_170 = tpu.memref_slice %arg6[%dma_wait3A_166, %dma_wait3A_167, %dma_wait3A_168, %dma_wait3A_169] : memref<2x1x128x128xf32, #tpu.memory_space<vmem>> -> memref<1x1x128x128xf32, #tpu.memory_space<vmem>>
      %dma_wait3A_171 = tpu.memref_squeeze %dma_wait3A_170 : memref<1x1x128x128xf32, #tpu.memory_space<vmem>> -> memref<128x128xf32, #tpu.memory_space<vmem>>
      %dma_wait3A_172 = arith.constant 0 : i32
      %dma_wait3A_173 = tpu.memref_slice %arg5[%dma_wait3A_164, %dma_wait3A_165, %dma_wait3A_172] : memref<2x1x128xi32, #tpu.memory_space<vmem>> -> memref<1x1x128xi32, #tpu.memory_space<vmem>>
      %dma_wait3A_174 = tpu.memref_squeeze %dma_wait3A_173 : memref<1x1x128xi32, #tpu.memory_space<vmem>> -> memref<128xi32, #tpu.memory_space<vmem>>
      %dma_wait3A_175 = arith.constant 0 : i32
      %dma_wait3A_176 = arith.constant 0 : i32
      %dma_wait3A_177 = tpu.memref_slice %arg3[%dma_wait3A_175, %dma_wait3A_176] : memref<1000000x128xf32, #tpu.memory_space<hbm>> -> memref<1000000x128xf32, #tpu.memory_space<hbm>>
      tpu.wait_indirect_dma semaphore(%arg9 : memref<!tpu.dma_semaphore, #tpu.memory_space<semaphore_mem>>) src(%dma_wait3A_177 : memref<1000000x128xf32, #tpu.memory_space<hbm>>) dst(%dma_wait3A_171 : memref<128x128xf32, #tpu.memory_space<vmem>>)
      %add3A_178 = arith.constant 2 : i32
      %add3A_179 = arith.addi %add3A_156, %add3A_178 : i32
      %lt3A_180 = arith.constant 200 : i32
      %lt3A_181 = arith.cmpi slt, %add3A_179, %lt3A_180 : i32
      %convert_element_type3A_182 = arith.extui %lt3A_181 : i1 to i32
      %cond3A_183 = arith.constant 0 : i32
      %cond3A_184 = arith.cmpi ne, %convert_element_type3A_182, %cond3A_183 : i32
      scf.if %cond3A_184 {
        %add3A_210 = arith.constant 2 : i32
        %add3A_211 = arith.addi %add3A_156, %add3A_210 : i32
        %mul3A_212 = arith.constant 128 : i32
        %mul3A_213 = arith.muli %add3A_211, %mul3A_212 : i32
        %add3A_214 = arith.addi %mul3A_2, %mul3A_213 : i32
        %add3A_215 = arith.constant 0 : i32
        %add3A_216 = arith.addi %add3A_214, %add3A_215 : i32
        %dma_start3A_217 = arith.constant 1 : i32
        %dma_start3A_218 = arith.constant 0 : i32
        %dma_start3A_219 = arith.constant 0 : i32
        %dma_start3A_220 = tpu.memref_slice %arg5[%dma_start3A_217, %dma_start3A_218, %dma_start3A_219] : memref<2x1x128xi32, #tpu.memory_space<vmem>> -> memref<1x1x128xi32, #tpu.memory_space<vmem>>
        %dma_start3A_221 = tpu.memref_squeeze %dma_start3A_220 : memref<1x1x128xi32, #tpu.memory_space<vmem>> -> memref<128xi32, #tpu.memory_space<vmem>>
        %dma_start3A_222 = tpu.memref_slice %arg2[%add3A_216] : memref<819200xi32, #tpu.memory_space<hbm>> -> memref<128xi32, #tpu.memory_space<hbm>>
        %dma_start3A_223 = arith.constant 0 : i32
        %dma_start3A_224 = tpu.memref_slice %arg5[%dma_start3A_217, %dma_start3A_218, %dma_start3A_223] : memref<2x1x128xi32, #tpu.memory_space<vmem>> -> memref<1x1x128xi32, #tpu.memory_space<vmem>>
        %dma_start3A_225 = tpu.memref_squeeze %dma_start3A_224 : memref<1x1x128xi32, #tpu.memory_space<vmem>> -> memref<128xi32, #tpu.memory_space<vmem>>
        %dma_start3A_226 = tpu.memref_slice %arg2[%add3A_216] : memref<819200xi32, #tpu.memory_space<hbm>> -> memref<128xi32, #tpu.memory_space<hbm>>
        tpu.enqueue_dma source(%dma_start3A_226 : memref<128xi32, #tpu.memory_space<hbm>>) target(%dma_start3A_225 : memref<128xi32, #tpu.memory_space<vmem>>) target_semaphore(%arg13 : memref<!tpu.dma_semaphore, #tpu.memory_space<semaphore_mem>>)
      } else {
      }
      %scan3A_185 = arith.constant 0 : i32
      %scan3A_186 = arith.constant 0 : i32
      %scan3A_187 = arith.constant 128 : i32
      %scan3A_188 = arith.addi %scan3A_186, %scan3A_187 : i32
      %scan3A_189 = arith.constant 1 : i32
      scf.for %scan3A_210 = %scan3A_186 to %scan3A_188 step %scan3A_189  : i32 {
        %get3A = arith.constant 1 : i32
        %get3A_211 = arith.constant 0 : i32
        %get3A_212 = arith.index_cast %get3A : i32 to index
        %get3A_213 = arith.index_cast %get3A_211 : i32 to index
        %get3A_214 = arith.index_cast %scan3A_210 : i32 to index
        %get3A_215 = arith.constant 0 : index
        %get3A_216 = tpu.vector_load %arg6[%get3A_212, %get3A_213, %get3A_214, %get3A_215] {strides = array<i32>} : memref<2x1x128x128xf32, #tpu.memory_space<vmem>>, vector<16xf32>,
        %mul3A_217 = arith.constant 1.250000e-01 : f32
        %mul3A_218 = vector.broadcast %mul3A_217 : f32 to vector<16xf32>
        %mul3A_219 = arith.mulf %get3A_216, %mul3A_218 : vector<16xf32>
        %swap3A = arith.constant 1 : i32
        %swap3A_220 = arith.constant 0 : i32
        %swap3A_221 = arith.index_cast %swap3A : i32 to index
        %swap3A_222 = arith.index_cast %swap3A_220 : i32 to index
        %swap3A_223 = arith.index_cast %scan3A_210 : i32 to index
        %swap3A_224 = arith.constant 0 : index
        %swap3A_225 = tpu.vector_load %arg7[%swap3A_221, %swap3A_222, %swap3A_223, %swap3A_224] {strides = array<i32>} : memref<2x1x128x64xf32, #tpu.memory_space<vmem>>, vector<16xf32>,
        tpu.vector_store %arg7[%swap3A_221, %swap3A_222, %swap3A_223, %swap3A_224], %mul3A_219 {strides = array<i32>} : memref<2x1x128x64xf32, #tpu.memory_space<vmem>>, vector<16xf32>,
        %get3A_226 = arith.constant 1 : i32
        %get3A_227 = arith.constant 0 : i32
        %get3A_228 = arith.index_cast %get3A_226 : i32 to index
        %get3A_229 = arith.index_cast %get3A_227 : i32 to index
        %get3A_230 = arith.index_cast %scan3A_210 : i32 to index
        %get3A_231 = arith.constant 16 : index
        %get3A_232 = tpu.vector_load %arg6[%get3A_228, %get3A_229, %get3A_230, %get3A_231] {strides = array<i32>} : memref<2x1x128x128xf32, #tpu.memory_space<vmem>>, vector<16xf32>,
        %mul3A_233 = arith.constant 1.250000e-01 : f32
        %mul3A_234 = vector.broadcast %mul3A_233 : f32 to vector<16xf32>
        %mul3A_235 = arith.mulf %get3A_232, %mul3A_234 : vector<16xf32>
        %swap3A_236 = arith.constant 1 : i32
        %swap3A_237 = arith.constant 0 : i32
        %swap3A_238 = arith.index_cast %swap3A_236 : i32 to index
        %swap3A_239 = arith.index_cast %swap3A_237 : i32 to index
        %swap3A_240 = arith.index_cast %scan3A_210 : i32 to index
        %swap3A_241 = arith.constant 16 : index
        %swap3A_242 = tpu.vector_load %arg7[%swap3A_238, %swap3A_239, %swap3A_240, %swap3A_241] {strides = array<i32>} : memref<2x1x128x64xf32, #tpu.memory_space<vmem>>, vector<16xf32>,
        tpu.vector_store %arg7[%swap3A_238, %swap3A_239, %swap3A_240, %swap3A_241], %mul3A_235 {strides = array<i32>} : memref<2x1x128x64xf32, #tpu.memory_space<vmem>>, vector<16xf32>,
        %get3A_243 = arith.constant 1 : i32
        %get3A_244 = arith.constant 0 : i32
        %get3A_245 = arith.index_cast %get3A_243 : i32 to index
        %get3A_246 = arith.index_cast %get3A_244 : i32 to index
        %get3A_247 = arith.index_cast %scan3A_210 : i32 to index
        %get3A_248 = arith.constant 32 : index
        %get3A_249 = tpu.vector_load %arg6[%get3A_245, %get3A_246, %get3A_247, %get3A_248] {strides = array<i32>} : memref<2x1x128x128xf32, #tpu.memory_space<vmem>>, vector<16xf32>,
        %mul3A_250 = arith.constant 1.250000e-01 : f32
        %mul3A_251 = vector.broadcast %mul3A_250 : f32 to vector<16xf32>
        %mul3A_252 = arith.mulf %get3A_249, %mul3A_251 : vector<16xf32>
        %swap3A_253 = arith.constant 1 : i32
        %swap3A_254 = arith.constant 0 : i32
        %swap3A_255 = arith.index_cast %swap3A_253 : i32 to index
        %swap3A_256 = arith.index_cast %swap3A_254 : i32 to index
        %swap3A_257 = arith.index_cast %scan3A_210 : i32 to index
        %swap3A_258 = arith.constant 32 : index
        %swap3A_259 = tpu.vector_load %arg7[%swap3A_255, %swap3A_256, %swap3A_257, %swap3A_258] {strides = array<i32>} : memref<2x1x128x64xf32, #tpu.memory_space<vmem>>, vector<16xf32>,
        tpu.vector_store %arg7[%swap3A_255, %swap3A_256, %swap3A_257, %swap3A_258], %mul3A_252 {strides = array<i32>} : memref<2x1x128x64xf32, #tpu.memory_space<vmem>>, vector<16xf32>,
        %get3A_260 = arith.constant 1 : i32
        %get3A_261 = arith.constant 0 : i32
        %get3A_262 = arith.index_cast %get3A_260 : i32 to index
        %get3A_263 = arith.index_cast %get3A_261 : i32 to index
        %get3A_264 = arith.index_cast %scan3A_210 : i32 to index
        %get3A_265 = arith.constant 48 : index
        %get3A_266 = tpu.vector_load %arg6[%get3A_262, %get3A_263, %get3A_264, %get3A_265] {strides = array<i32>} : memref<2x1x128x128xf32, #tpu.memory_space<vmem>>, vector<16xf32>,
        %mul3A_267 = arith.constant 1.250000e-01 : f32
        %mul3A_268 = vector.broadcast %mul3A_267 : f32 to vector<16xf32>
        %mul3A_269 = arith.mulf %get3A_266, %mul3A_268 : vector<16xf32>
        %swap3A_270 = arith.constant 1 : i32
        %swap3A_271 = arith.constant 0 : i32
        %swap3A_272 = arith.index_cast %swap3A_270 : i32 to index
        %swap3A_273 = arith.index_cast %swap3A_271 : i32 to index
        %swap3A_274 = arith.index_cast %scan3A_210 : i32 to index
        %swap3A_275 = arith.constant 48 : index
        %swap3A_276 = tpu.vector_load %arg7[%swap3A_272, %swap3A_273, %swap3A_274, %swap3A_275] {strides = array<i32>} : memref<2x1x128x64xf32, #tpu.memory_space<vmem>>, vector<16xf32>,
        tpu.vector_store %arg7[%swap3A_272, %swap3A_273, %swap3A_274, %swap3A_275], %mul3A_269 {strides = array<i32>} : memref<2x1x128x64xf32, #tpu.memory_space<vmem>>, vector<16xf32>,
      }
      %scan3A_190 = arith.constant 128 : i32
      %mul3A_191 = arith.constant 128 : i32
      %mul3A_192 = arith.muli %add3A_156, %mul3A_191 : i32
      %add3A_193 = arith.addi %mul3A_2, %mul3A_192 : i32
      %add3A_194 = arith.constant 0 : i32
      %add3A_195 = arith.addi %add3A_193, %add3A_194 : i32
      %dma_start3A_196 = arith.constant 1 : i32
      %dma_start3A_197 = arith.constant 0 : i32
      %dma_start3A_198 = arith.constant 0 : i32
      %dma_start3A_199 = arith.constant 0 : i32
      %dma_start3A_200 = tpu.memref_slice %arg7[%dma_start3A_196, %dma_start3A_197, %dma_start3A_198, %dma_start3A_199] : memref<2x1x128x64xf32, #tpu.memory_space<vmem>> -> memref<1x1x128x64xf32, #tpu.memory_space<vmem>>
      %dma_start3A_201 = tpu.memref_squeeze %dma_start3A_200 : memref<1x1x128x64xf32, #tpu.memory_space<vmem>> -> memref<128x64xf32, #tpu.memory_space<vmem>>
      %dma_start3A_202 = arith.constant 0 : i32
      %dma_start3A_203 = tpu.memref_slice %arg4[%add3A_195, %dma_start3A_202] : memref<819200x64xf32, #tpu.memory_space<hbm>> -> memref<128x64xf32, #tpu.memory_space<hbm>>
      %dma_start3A_204 = arith.constant 0 : i32
      %dma_start3A_205 = tpu.memref_slice %arg4[%add3A_195, %dma_start3A_204] : memref<819200x64xf32, #tpu.memory_space<hbm>> -> memref<128x64xf32, #tpu.memory_space<hbm>>
      %dma_start3A_206 = arith.constant 0 : i32
      %dma_start3A_207 = arith.constant 0 : i32
      %dma_start3A_208 = tpu.memref_slice %arg7[%dma_start3A_196, %dma_start3A_197, %dma_start3A_206, %dma_start3A_207] : memref<2x1x128x64xf32, #tpu.memory_space<vmem>> -> memref<1x1x128x64xf32, #tpu.memory_space<vmem>>
      %dma_start3A_209 = tpu.memref_squeeze %dma_start3A_208 : memref<1x1x128x64xf32, #tpu.memory_space<vmem>> -> memref<128x64xf32, #tpu.memory_space<vmem>>
      tpu.enqueue_dma source(%dma_start3A_209 : memref<128x64xf32, #tpu.memory_space<vmem>>) target(%dma_start3A_205 : memref<128x64xf32, #tpu.memory_space<hbm>>) target_semaphore(%arg11 : memref<!tpu.dma_semaphore, #tpu.memory_space<semaphore_mem>>)
    }
    %scan3A_61 = arith.constant 100 : i32
    %add3A_62 = arith.constant 25344 : i32
    %add3A_63 = arith.addi %mul3A_2, %add3A_62 : i32
    %add3A_64 = arith.constant 0 : i32
    %add3A_65 = arith.addi %add3A_63, %add3A_64 : i32
    %dma_wait3A_66 = arith.constant 0 : i32
    %dma_wait3A_67 = arith.constant 0 : i32
    %dma_wait3A_68 = arith.constant 0 : i32
    %dma_wait3A_69 = arith.constant 0 : i32
    %dma_wait3A_70 = tpu.memref_slice %arg7[%dma_wait3A_66, %dma_wait3A_67, %dma_wait3A_68, %dma_wait3A_69] : memref<2x1x128x64xf32, #tpu.memory_space<vmem>> -> memref<1x1x128x64xf32, #tpu.memory_space<vmem>>
    %dma_wait3A_71 = tpu.memref_squeeze %dma_wait3A_70 : memref<1x1x128x64xf32, #tpu.memory_space<vmem>> -> memref<128x64xf32, #tpu.memory_space<vmem>>
    %dma_wait3A_72 = arith.constant 0 : i32
    %dma_wait3A_73 = tpu.memref_slice %arg4[%add3A_65, %dma_wait3A_72] : memref<819200x64xf32, #tpu.memory_space<hbm>> -> memref<128x64xf32, #tpu.memory_space<hbm>>
    %dma_wait3A_74 = arith.constant 0 : i32
    %dma_wait3A_75 = tpu.memref_slice %arg4[%add3A_65, %dma_wait3A_74] : memref<819200x64xf32, #tpu.memory_space<hbm>> -> memref<128x64xf32, #tpu.memory_space<hbm>>
    %dma_wait3A_76 = arith.constant 0 : i32
    %dma_wait3A_77 = arith.constant 0 : i32
    %dma_wait3A_78 = tpu.memref_slice %arg7[%dma_wait3A_66, %dma_wait3A_67, %dma_wait3A_76, %dma_wait3A_77] : memref<2x1x128x64xf32, #tpu.memory_space<vmem>> -> memref<1x1x128x64xf32, #tpu.memory_space<vmem>>
    %dma_wait3A_79 = tpu.memref_squeeze %dma_wait3A_78 : memref<1x1x128x64xf32, #tpu.memory_space<vmem>> -> memref<128x64xf32, #tpu.memory_space<vmem>>
    tpu.wait_dma2 semaphore(%arg10 : memref<!tpu.dma_semaphore, #tpu.memory_space<semaphore_mem>>) src(%dma_wait3A_79 : memref<128x64xf32, #tpu.memory_space<vmem>>) dst(%dma_wait3A_75 : memref<128x64xf32, #tpu.memory_space<hbm>>)
    %add3A_80 = arith.constant 25472 : i32
    %add3A_81 = arith.addi %mul3A_2, %add3A_80 : i32
    %add3A_82 = arith.constant 0 : i32
    %add3A_83 = arith.addi %add3A_81, %add3A_82 : i32
    %dma_wait3A_84 = arith.constant 1 : i32
    %dma_wait3A_85 = arith.constant 0 : i32
    %dma_wait3A_86 = arith.constant 0 : i32
    %dma_wait3A_87 = arith.constant 0 : i32
    %dma_wait3A_88 = tpu.memref_slice %arg7[%dma_wait3A_84, %dma_wait3A_85, %dma_wait3A_86, %dma_wait3A_87] : memref<2x1x128x64xf32, #tpu.memory_space<vmem>> -> memref<1x1x128x64xf32, #tpu.memory_space<vmem>>
    %dma_wait3A_89 = tpu.memref_squeeze %dma_wait3A_88 : memref<1x1x128x64xf32, #tpu.memory_space<vmem>> -> memref<128x64xf32, #tpu.memory_space<vmem>>
    %dma_wait3A_90 = arith.constant 0 : i32
    %dma_wait3A_91 = tpu.memref_slice %arg4[%add3A_83, %dma_wait3A_90] : memref<819200x64xf32, #tpu.memory_space<hbm>> -> memref<128x64xf32, #tpu.memory_space<hbm>>
    %dma_wait3A_92 = arith.constant 0 : i32
    %dma_wait3A_93 = tpu.memref_slice %arg4[%add3A_83, %dma_wait3A_92] : memref<819200x64xf32, #tpu.memory_space<hbm>> -> memref<128x64xf32, #tpu.memory_space<hbm>>
    %dma_wait3A_94 = arith.constant 0 : i32
    %dma_wait3A_95 = arith.constant 0 : i32
    %dma_wait3A_96 = tpu.memref_slice %arg7[%dma_wait3A_84, %dma_wait3A_85, %dma_wait3A_94, %dma_wait3A_95] : memref<2x1x128x64xf32, #tpu.memory_space<vmem>> -> memref<1x1x128x64xf32, #tpu.memory_space<vmem>>
    %dma_wait3A_97 = tpu.memref_squeeze %dma_wait3A_96 : memref<1x1x128x64xf32, #tpu.memory_space<vmem>> -> memref<128x64xf32, #tpu.memory_space<vmem>>
    tpu.wait_dma2 semaphore(%arg11 : memref<!tpu.dma_semaphore, #tpu.memory_space<semaphore_mem>>) src(%dma_wait3A_97 : memref<128x64xf32, #tpu.memory_space<vmem>>) dst(%dma_wait3A_93 : memref<128x64xf32, #tpu.memory_space<hbm>>)
    return
  }
}

</mosaic_0001>

<sc_bundles>
// kernel: kernel.3.cloned.1.call-start
scs
__scs_entry_jumppad:
0x0: {  	(pc) =	sbr.rel $0x88, $3  }
0x1: {  	(tag) =	ssettag $0x0;
	lr =	simm.s32 $0x1  }
0x2: {  	[smem:$0x3F9F] =	sst lr;
	_ =	strace $0xD0000000  }
0x3: {  	_ = 	snop  }
0x4: {  	_ = 	snop  }
0x5: {  	_ = 	snop  }
0x6: {  	_ = 	snop  }
0x7: {  	_ = 	snop  }
__scs_overlays_trampoline_lowered:
0x8: {  	[smem:$0x3FAE] =	sst s0  }
0x9: {  	[smem:$0x3FAF] =	sst s1  }
0xa: {  	[smem:$0x3FB0] =	sst s2  }
0xb: {  	[smem:$0x3FB1] =	sst s3  }
0xc: {  	[smem:$0x3FB2] =	sst s4  }
0xd: {  	[smem:$0x3FB3] =	sst s5  }
0xe: {  	[smem:$0x3FB4] =	sst s6  }
0xf: {  	[smem:$0x3FB5] =	sst s7  }
0x10: {  	[smem:$0x3FB6] =	sst s8  }
0x11: {  	[smem:$0x3FB7] =	sst s9;
	s0 =	simm.s32 @!p0 $0x0  }
0x12: {  	s1 =	sld [smem:$0x3F9D];
	s0 =	simm.s32 @p0 $0x1  }
0x13: {  	[smem:$0x3FB8] =	sst s0;
	s0 =	simm.s32 @!p1 $0x0  }
0x14: {  	s2 =	sld [smem:$0x3F9C];
	s0 =	simm.s32 @p1 $0x1  }
0x15: {  	[smem:$0x3FB9] =	sst s0;
	s0 =	simm.s32 @!p2 $0x0  }
0x16: {  	s3 =	sld [smem:$0x3FDB];
	s0 =	simm.s32 @p2 $0x1  }
0x17: {  	s4 =	simm.s32 $0x1BF5;
	[smem:$0x3FBB] =	sst s0  }
0x18: {  	s0 =	sld [smem:$0x3F9E];
	_ =	swait.ge [sflag:s4], $0x0  }
0x19: {  	s7 =	sld [smem:$0x3F9F]  }
0x1a: {  	s8 =	sadd.s32 $0xFFFFE003, lr  }
0x1b: {  	s9 =	sadd.s32 $0xFFFFFEF7, lr;
	s5 =	simm.s32 $0xFFFFFFFF;
	p2 =	slt.u32 s8, $0xFFFFF086  }
0x1c: {  	p1 =	slt.u32 s9, $0xF7A;
	s5 =	simm.s32 @!p2 $0x0  }
0x1d: {  	s5 =	simm.s32 @p1 $0x1;
	p0 =	seq.s32 s7, s2  }
0x1e: {  	s7 =	smul.u32 @!p0 $0xF7A, s2;
	p2 =	seq.s32 @!p0 s5, $0x0  }
0x1f: {  	s9 =	smul.u32 $0xF7A, s1;
	s8 =	simm.s32 @!p0 $0x1BF5;
	p2 =	por !p2, p0  }
0x20: {  	[sflag:s8] =	ssyncset.s32 @!p0 $0xFFFFF086;
	s6 =	sadd.s32 @!p0 s3, s7;
	s7 =	simm.s32 @!p0 $0x108  }
0x21: {  	s3 =	sadd.s32 s3, s9;
	s6 =	sadd.s32 @!p0 $0x88, s6;
	s7 =	simm.s32 @p2 $0x1082  }
0x22: {  	[simem:s7], [sflag:s8] =	dma.local @!p0 [hbm:s6], $0xF7A  }
0x23: {  	s9 =	sor.u32 $0xD0000000, s2;
	s6 =	simm.s32 $0x108;
	_ =	swait.ge @!p0 [sflag:s8], $0x0  }
0x24: {  	s3 =	sadd.s32 $0x88, s3;
	s6 =	simm.s32 @!p1 $0x1082;
	[sflag:s4] =	ssyncset.s32 $0xFFFFF086  }
0x25: {  	[simem:s6], [sflag:s4] =	dma.local [hbm:s3], $0xF7A  }
0x26: {  	[smem:$0x3F9F] =	sst s1;
	(tag) =	ssettag s2;
	_ =	strace s9  }
0x27: {  	s1 =	sld [smem:$0x3FAF]  }
0x28: {  	s2 =	sld [smem:$0x3FB0]  }
0x29: {  	s4 =	sld [smem:$0x3FB2]  }
0x2a: {  	p0 =	seq.s32 s5, $0x0;
	s5 =	sld [smem:$0x3FB3]  }
0x2b: {  	s6 =	sld [smem:$0x3FB4]  }
0x2c: {  	s7 =	sld [smem:$0x3FB5]  }
0x2d: {  	s3 =	simm.s32 $0x108;
	s8 =	sld [smem:$0x3FB6]  }
0x2e: {  	s3 =	simm.s32 @!p0 $0x1082;
	s9 =	sld [smem:$0x3FB7]  }
0x2f: {  	lr =	sadd.s32 s0, s3;
	s0 =	sld [smem:$0x3FAE]  }
0x30: {  	s3 =	sld [smem:$0x3FB1]  }
0x31: {  	[smem:$0x3FBA] =	sst s10  }
0x32: {  	s10 =	sld [smem:$0x3FB8];
	_ =	sdelay $0x3  }
0x33: {  	p0 =	seq.s32 s10, $0x1;
	s10 =	sld [smem:$0x3FBA];
	_ =	sdelay $0x3  }
0x34: {  	[smem:$0x3FBA] =	sst s10  }
0x35: {  	s10 =	sld [smem:$0x3FB9];
	_ =	sdelay $0x3  }
0x36: {  	p1 =	seq.s32 s10, $0x1;
	s10 =	sld [smem:$0x3FBA];
	_ =	sdelay $0x3  }
0x37: {  	[smem:$0x3FBA] =	sst s10  }
0x38: {  	s10 =	sld [smem:$0x3FBB]  }
0x39: {  	_ = 	snop;
	(pc) =	sbr.ind lr, $3  }
0x3a: {  	_ = 	snop  }
0x3b: {  	_ = 	snop  }
0x3c: {  	p2 =	seq.s32 s10, $0x1;
	s10 =	sld [smem:$0x3FBA]  }
0x3d: {  	_ =	shalt  }
0x3e: {  	_ =	shalt  }
0x3f: {  	_ =	shalt  }
0x40: {  	_ =	shalt  }
0x41: {  	_ =	shalt  }
0x42: {  	_ =	shalt  }
0x43: {  	_ =	shalt  }
0x44: {  	_ =	shalt  }
0x45: {  	_ =	shalt  }
0x46: {  	_ =	shalt  }
0x47: {  	_ =	shalt  }
0x48: {  	_ =	shalt  }
0x49: {  	_ =	shalt  }
0x4a: {  	_ =	shalt  }
0x4b: {  	_ =	shalt  }
0x4c: {  	_ =	shalt  }
0x4d: {  	_ =	shalt  }
0x4e: {  	_ =	shalt  }
0x4f: {  	_ =	shalt  }
0x50: {  	_ =	shalt  }
0x51: {  	_ =	shalt  }
0x52: {  	_ =	shalt  }
0x53: {  	_ =	shalt  }
0x54: {  	_ =	shalt  }
0x55: {  	_ =	shalt  }
0x56: {  	_ =	shalt  }
0x57: {  	_ =	shalt  }
0x58: {  	_ =	shalt  }
0x59: {  	_ =	shalt  }
0x5a: {  	_ =	shalt  }
0x5b: {  	_ =	shalt  }
0x5c: {  	_ =	shalt  }
0x5d: {  	_ =	shalt  }
0x5e: {  	_ =	shalt  }
0x5f: {  	_ =	shalt  }
0x60: {  	_ =	shalt  }
0x61: {  	_ =	shalt  }
0x62: {  	_ =	shalt  }
0x63: {  	_ =	shalt  }
0x64: {  	_ =	shalt  }
0x65: {  	_ =	shalt  }
0x66: {  	_ =	shalt  }
0x67: {  	_ =	shalt  }
0x68: {  	_ =	shalt  }
0x69: {  	_ =	shalt  }
0x6a: {  	_ =	shalt  }
0x6b: {  	_ =	shalt  }
0x6c: {  	_ =	shalt  }
0x6d: {  	_ =	shalt  }
0x6e: {  	_ =	shalt  }
0x6f: {  	_ =	shalt  }
0x70: {  	_ =	shalt  }
0x71: {  	_ =	shalt  }
0x72: {  	_ =	shalt  }
0x73: {  	_ =	shalt  }
0x74: {  	_ =	shalt  }
0x75: {  	_ =	shalt  }
0x76: {  	_ =	shalt  }
0x77: {  	_ =	shalt  }
0x78: {  	_ =	shalt  }
0x79: {  	_ =	shalt  }
0x7a: {  	_ =	shalt  }
0x7b: {  	_ =	shalt  }
0x7c: {  	_ =	shalt  }
0x7d: {  	_ =	shalt  }
0x7e: {  	_ =	shalt  }
0x7f: {  	_ =	shalt  }
0x80: {  	_ =	shalt  }
0x81: {  	_ =	shalt  }
0x82: {  	_ =	shalt  }
0x83: {  	_ =	shalt  }
0x84: {  	_ =	shalt  }
0x85: {  	_ =	shalt  }
0x86: {  	_ =	shalt  }
0x87: {  	_ =	shalt  }
.Lfunc_end0:
.L_simem_size_0:
called_computation.1_lowered:
.L_overlay_start_0:
0x88: {  	s2 =	sld [smem:$0x3FD9]  }
0x89: {  	s3 =	sld [smem:$0x3FFE];
	_ =	sdelay $0x1  }
0x8a: {  	s1 =	srdreg.scid  }
0x8b: {  	s0 =	sand.u32 $0x1, s1  }
0x8c: {  	s17 =	sshll.u32 s0, $0xA;
	s2 =	sadd.s32 s3, s2  }
0x8d: {  	s2 =	sadd.s32 s2, s17  }
0x8e: {  	[smem:$0x3FC6] =	sst s2  }
0x8f: {  	_ = 	snop  }
0x90: {  	s2 =	sld [smem:$0x3FD0];
	(tm) =	ssettm $0x1  }
0x91: {  	s18 =	sld [smem:$0x3FFB];
	_ =	sdelay $0x3  }
0x92: {  	_ =	strace s18  }
0x93: {  	s3 =	sld [smem:$0x3FFC];
	_ =	sdelay $0x3  }
0x94: {  	_ =	strace s3  }
0x95: {  	s3 =	sld [smem:$0x3FFD];
	_ =	sdelay $0x3  }
0x96: {  	_ =	strace s3  }
0x97: {  	_ =	strace $0x8FFFFFFF  }
0x98: {  	s19 =	sld [smem:$0x3FDB];
	_ =	sdelay $0x1  }
0x99: {  	s4 =	simm.s32 $_scs_section_size  }
0x9a: {  	s5 =	simm.s32 $_size__tile_overlayer_lowered;
	s6 =	simm.s32 $_tile_overlayer_lowered  }
0x9b: {  	s22 =	simm.s32 $0x1BFF;
	s21 =	sshll.u32 s6, $0x1;
	s3 =	sadd.s32 s4, s19  }
0x9c: {  	s7 =	simm.s32 $0x0;
	s20 =	sshll.u32 s5, $0x1;
	s5 =	sadd.s32 s21, s3  }
0x9d: {  	[timem:s7], [sflag:s22] =	dma.local [hbm:s5], s20  }
0x9e: {  	_ =	swait.ge [sflag:s22], s20  }
0x9f: {  	s4 =	ssub.s32 $0x0, s20;
	[sflag:s22] =	ssyncset.done $0x0  }
0xa0: {  	[sflag:s22] =	ssyncadd.s32 s4;
	_ =	sdelay $0x1  }
0xa1: {  	s23 =	simm.s32 $0x1B8B  }
0xa2: {  	_ =	swait.ge [sflag:s23], $0x1  }
0xa3: {  	[sflag:s23] =	ssyncset.done $0x0  }
0xa4: {  	s25 =	simm.s32 $0x1B8E;
	s24 =	sld [smem:$0x3FFE];
	[sflag:s23] =	ssyncadd.s32 $0xFFFFFFFF  }
0xa5: {  	s26 =	simm.s32 $execute0_lowered;
	[smem:$0x3FD2] =	sst s25  }
0xa6: {  	s5 =	sshll.u32 s26, $0x1;
	_ =	strace $0x80000046;
	[dreg:$0x1] =	wrdreg $0xFFFFFFFF  }
0xa7: {  	s28 =	simm.s32 $_size_execute0_lowered;
	s3 =	sadd.s32 s3, s5;
	[dreg:$0x0] =	wrdreg $0x0  }
0xa8: {  	s5 =	sshll.u32 s28, $0x1;
	[dreg:$0x2] =	wrdreg s3  }
0xa9: {  	[dreg:$0x3] =	wrdreg s5  }
0xaa: {  	[dreg:$0x4] =	wrdreg $0xC0  }
0xab: {  	_ =	task [dreg:s7], $0x5FFFF  }
0xac: {  	[dreg:$0x1] =	wrdreg $0xFFFFFFFF  }
0xad: {  	[dreg:$0x0] =	wrdreg $0x60  }
0xae: {  	[dreg:$0x2] =	wrdreg s2  }
0xaf: {  	[dreg:$0x3] =	wrdreg s24  }
0xb0: {  	[dreg:$0x4] =	wrdreg $0x9  }
0xb1: {  	_ =	task.clear_ibuf [dreg:s7], $0x5FFFF;
	_ =	strace $0x90000046  }
0xb2: {  	s29 =	simm.s32 $0x9;
	_ =	strace $0x80000048  }
0xb3: {  	_ =	swait.ge [sflag:s29], $0x1  }
0xb4: {  	[sflag:s29] =	ssyncadd.s32 $0xFFFFFFFF  }
0xb5: {  	_ =	strace $0x90000048  }
0xb6: {  	_ =	sfence  }
0xb7: {  	s30 =	sld [smem:$0x0];
	_ =	sdelay $0x2  }
0xb8: {  	s31 =	sshll.u32 s1, $0xD;
	s1 =	sshrl.u32 s1, $0x2  }
0xb9: {  	s3 =	sand.u32 $0x4000, s31;
	s1 =	sadd.s32 s1, s30  }
0xba: {  	s0 =	sor.u32 s3, s0;
	s1 =	sshll.u32 s1, $0x11  }
0xbb: {  	s0 =	sor.u32 s1, s0  }
0xbc: {  	s0 =	sadd.s32 $0x8F2B, s0  }
0xbd: {  	[sflag:s0] =	ssyncadd.remote.s32 $0x1  }
0xbe: {  	_ =	sfence.sel $0xFFFF  }
0xbf: {  	[dreg:$0x0] =	wrdreg $0xFFFFFFFF;
	(pc) =	sbr.abs _section_cstart, $3  }
0xc0: {  	[dreg:$0x1] =	wrdreg $0xFFFFFFFF  }
0xc1: {  	_ =	task.clear_ibuf [dreg:s7], $0x2FFFF;
	_ =	strace $0x9FFFFFFF  }
0xc2: {  	(tm) =	ssettm $0x7FFFFFFF  }
0xc3: {  	_ =	shalt  }
tec
execute0_lowered:
.L_overlay_start_1:
0x0: {  	(tag) =	ssettag $0x1  }
0x1: {  	s2 =	rddreg [dreg:$0x0]  }
0x2: {  	s1 =	srdreg.scid;
	s0 =	stileid.u32  }
0x3: {  	s7 =	rddreg [dreg:$0x1];
	s3 =	simm.s32 $0x0;
	s13 =	simm.s32 $0x5  }
0x4: {  	s14 =	simm.s32 $0x80;
	s15 =	simm.s32 $0x100;
	s16 =	simm.s32 $0x6  }
0x5: {  	s17 =	simm.s32 $0x4100;
	s18 =	simm.s32 $0x1;
	s19 =	simm.s32 $0x8100  }
0x6: {  	s20 =	simm.s32 $0xC100;
	s21 =	simm.s32 $0x3;
	s22 =	simm.s32 $0x4  }
0x7: {  	s5 =	sand.u32 $0x1, s1;
	s4 =	sshll.u32 s0, $0x1;
	s1 =	rddreg [dreg:$0x2]  }
0x8: {  	s23 =	simm.s32 $0x0;
	[smem:$0x7FF] =	sst s3;
	s6 =	sor.u32 s5, s4  }
0x9: {  	_ =	strace $0x80000047;
	s8 =	ssub.s32 $0x2, s5;
	s10 =	smul.u32 $0x6400, s6  }
0xa: {  	s4 =	sadd.s32 $0xF42E00, s7;
	s7 =	sadd.s32 $0xA00, s7;
	s9 =	sshrl.u32 s8, $0x1  }
0xb: {  	s6 =	smul.u32 $0x320000, s6;
	s12 =	ssub.s32 s8, s9;
	s31 =	sshrl.u32 s10, $0x3  }
0xc: {  	s9 =	sor.u32 $0x100, s10;
	s10 =	sor.u32 $0x180, s10;
	s5 =	sadd.s32 s2, s31  }
0xd: {  	s11 =	sor.u32 $0x4000, s6;
	s12 =	smax.u32 s12, $0x1;
	s8 =	sadd.s32 $0x10, s5  }
.LBB2_1:
0xe: {  	[tilespmem:s3], [sflag:$0x5] =	stream.linear.gather [hbm4b:s5+s3], $0x80, $0x38;
	[tilespmem:$0x10100] =	vst v63  }
0xf: {  	_ =	swait.ge [sflag:s13], $0x80  }
0x10: {  	[sflag:s13] =	ssyncset.done $0x0  }
0x11: {  	[sflag:s13] =	ssyncadd.s32 $0xFFFFFF80  }
0x12: {  	[tilespmem:s15], [sflag:$0x1] =	stream.indirect.gather [hbm4b:s4+s14], $0x80, s3, s14, $0xb8;
	[tilespmem:$0x10100] =	vst v63  }
0x13: {  	s24 =	simm.s32 $0x0  }
0x14: {  	[tilespmem:s14], [sflag:$0x6] =	stream.linear.gather [hbm4b:s8+s3], $0x80, $0x38;
	[tilespmem:$0x10100] =	vst v63  }
.LBB2_2:
0x15: {  	p0 =	seq.s32 s24, $0x0  }
0x16: {  	s25 =	simm.s32 @!p0 $0x4  }
0x17: {  	_ =	swait.ge @!p0 [sflag:s25], $0x4000  }
0x18: {  	[sflag:s25] =	ssyncset.done @!p0 $0x0  }
0x19: {  	[sflag:s25] =	ssyncadd.s32 @!p0 $0xFFFFC000  }
0x1a: {  	_ =	swait.ge [sflag:s16], $0x80  }
0x1b: {  	p0 =	seq.s32 s24, $0x63;
	[sflag:s16] =	ssyncset.done $0x0  }
0x1c: {  	s25 =	sshll.u32 @!p0 s24, $0x8;
	[sflag:s16] =	ssyncadd.s32 $0xFFFFFF80  }
0x1d: {  	[tilespmem:s17], [sflag:$0x2] =	stream.indirect.gather [hbm4b:s4+s14], $0x80, s14, s14, $0xb8;
	[tilespmem:$0x10100] =	vst v63  }
0x1e: {  	s25 =	sadd.s32 @!p0 s25, s9;
	_ =	swait.ge [sflag:s18], $0x4000  }
0x1f: {  	s25 =	sshrl.u32 @!p0 s25, $0x3;
	[sflag:s18] =	ssyncset.done $0x0  }
0x20: {  	s26 =	simm.s32 @!p0 $0x0;
	s25 =	sadd.s32 @!p0 s2, s25;
	[sflag:s18] =	ssyncadd.s32 $0xFFFFC000  }
0x21: {  	[tilespmem:s26], [sflag:$0x5] =	stream.linear.gather @!p0 [hbm4b:s25+s26], $0x80, $0x38;
	[tilespmem:$0x10100] =	vst v63  }
0x22: {  	s26 =	simm.s32 $0x0  }
0x23: {  	v0 =	vld [tilespmem:s26+$0x130]  }
0x24: {  	v1 =	vld [tilespmem:s26+$0x100]  }
0x25: {  	v3 =	vld [tilespmem:s26+$0x110]  }
0x26: {  	v2 =	vld [tilespmem:s26+$0x120]  }
0x27: {  	s28 =	simm.s32 $0x200;
	s25 =	sshll.u32 s24, $0xF  }
.LBB2_3:
0x28: {  	s29 =	sshra.s32 s28, $0x2;
	p0 =	sne.s32 s28, $0xFE00;
	s28 =	sadd.s32 $0x200, s28;
	v4 =	vmul.f32 $1.250000000e-01, v0  }
.Ltmp0:
0x29: {  	v0 =	vld [tilespmem:s29+$0x130];
	v5 =	vmul.f32 $1.250000000e-01, v1;
	(pc) =	sbr.rel @p0 .LBB2_3-.Ltmp0, $4  }
0x2a: {  	v1 =	vld [tilespmem:s29+$0x100];
	v6 =	vmul.f32 $1.250000000e-01, v3;
	[tilespmem:s26+$0x8130] =	vst v4  }
0x2b: {  	v3 =	vld [tilespmem:s29+$0x110];
	[tilespmem:s26+$0x8100] =	vst v5;
	v4 =	vmul.f32 $1.250000000e-01, v2  }
0x2c: {  	v2 =	vld [tilespmem:s29+$0x120];
	[tilespmem:s26+$0x8110] =	vst v6  }
0x2d: {  	[tilespmem:s26+$0x8120] =	vst v4;
	s26 =	smov.u32 s29  }
0x2e: {  	v0 =	vmul.f32 $1.250000000e-01, v0  }
0x2f: {  	v1 =	vmul.f32 $1.250000000e-01, v1  }
0x30: {  	v3 =	vmul.f32 $1.250000000e-01, v3;
	[tilespmem:s26+$0x8130] =	vst v0  }
0x31: {  	s28 =	sadd.s32 s6, s25;
	[tilespmem:s26+$0x8100] =	vst v1;
	v0 =	vmul.f32 $1.250000000e-01, v2  }
0x32: {  	p0 =	sne.s32 s24, $0x63;
	s28 =	sshrl.u32 s28, $0x3;
	[tilespmem:s26+$0x8110] =	vst v3  }
0x33: {  	s31 =	sadd.s32 s7, s28;
	[tilespmem:s26+$0x8120] =	vst v0;
	s26 =	simm.s32 @p0 $0x3  }
0x34: {  	[hbm4b:s31+s3] =	stream.linear.scatter [tilespmem:s19], [sflag:$0x3], $0x4000, $0x38;
	[tilespmem:$0x10100] =	vst v63  }
0x35: {  	_ =	swait.ge @p0 [sflag:s26], $0x4000  }
0x36: {  	[sflag:s26] =	ssyncset.done @p0 $0x0  }
0x37: {  	[sflag:s26] =	ssyncadd.s32 @p0 $0xFFFFC000;
	s26 =	simm.s32 @p0 $0x5  }
0x38: {  	_ =	swait.ge @p0 [sflag:s26], $0x80  }
0x39: {  	s29 =	simm.s32 @p0 $0x100;
	[sflag:s26] =	ssyncset.done @p0 $0x0  }
0x3a: {  	s28 =	simm.s32 @p0 $0x0;
	[sflag:s26] =	ssyncadd.s32 @p0 $0xFFFFFF80;
	s26 =	simm.s32 @p0 $0x80  }
0x3b: {  	[tilespmem:s29], [sflag:$0x1] =	stream.indirect.gather @p0 [hbm4b:s4+s26], $0x80, s28, s26, $0xb8;
	[tilespmem:$0x10100] =	vst v63  }
0x3c: {  	s30 =	sshll.u32 @p0 s24, $0x8;
	s29 =	simm.s32 @p0 $0x2  }
0x3d: {  	s30 =	sadd.s32 @p0 s30, s10;
	_ =	swait.ge @p0 [sflag:s29], $0x4000  }
0x3e: {  	s30 =	sshrl.u32 @p0 s30, $0x3;
	[sflag:s29] =	ssyncset.done @p0 $0x0  }
0x3f: {  	[sflag:s29] =	ssyncadd.s32 @p0 $0xFFFFC000;
	s29 =	sadd.s32 @p0 s2, s30  }
0x40: {  	[tilespmem:s26], [sflag:$0x6] =	stream.linear.gather @p0 [hbm4b:s29+s28], $0x80, $0x38;
	[tilespmem:$0x10100] =	vst v63  }
0x41: {  	s26 =	simm.s32 @!p0 $0x2  }
0x42: {  	_ =	swait.ge @!p0 [sflag:s26], $0x4000  }
0x43: {  	[sflag:s26] =	ssyncset.done @!p0 $0x0  }
0x44: {  	[sflag:s26] =	ssyncadd.s32 @!p0 $0xFFFFC000;
	s26 =	simm.s32 $0x0  }
0x45: {  	v1 =	vld [tilespmem:s26+$0x4130]  }
0x46: {  	v2 =	vld [tilespmem:s26+$0x4100]  }
0x47: {  	v3 =	vld [tilespmem:s26+$0x4110]  }
0x48: {  	v0 =	vld [tilespmem:s26+$0x4120]  }
0x49: {  	s28 =	simm.s32 $0x200  }
.LBB2_5:
0x4a: {  	s29 =	sshra.s32 s28, $0x2;
	p0 =	sne.s32 s28, $0xFE00;
	s28 =	sadd.s32 $0x200, s28;
	v4 =	vmul.f32 $1.250000000e-01, v1  }
.Ltmp1:
0x4b: {  	v1 =	vld [tilespmem:s29+$0x4130];
	v5 =	vmul.f32 $1.250000000e-01, v2;
	(pc) =	sbr.rel @p0 .LBB2_5-.Ltmp1, $4  }
0x4c: {  	v2 =	vld [tilespmem:s29+$0x4100];
	v6 =	vmul.f32 $1.250000000e-01, v3;
	[tilespmem:s26+$0xC130] =	vst v4  }
0x4d: {  	v3 =	vld [tilespmem:s29+$0x4110];
	[tilespmem:s26+$0xC100] =	vst v5;
	v4 =	vmul.f32 $1.250000000e-01, v0  }
0x4e: {  	v0 =	vld [tilespmem:s29+$0x4120];
	[tilespmem:s26+$0xC110] =	vst v6  }
0x4f: {  	[tilespmem:s26+$0xC120] =	vst v4;
	s26 =	smov.u32 s29  }
0x50: {  	v1 =	vmul.f32 $1.250000000e-01, v1;
	s24 =	sadd.s32 $0x1, s24  }
0x51: {  	v2 =	vmul.f32 $1.250000000e-01, v2;
	p0 =	sne.s32 s24, $0x64  }
.Ltmp2:
0x52: {  	v3 =	vmul.f32 $1.250000000e-01, v3;
	[tilespmem:s26+$0xC130] =	vst v1;
	(pc) =	sbr.rel @p0 .LBB2_2-.Ltmp2, $4  }
0x53: {  	s25 =	sadd.s32 s25, s11;
	[tilespmem:s26+$0xC100] =	vst v2;
	v0 =	vmul.f32 $1.250000000e-01, v0  }
0x54: {  	s25 =	sshrl.u32 s25, $0x3;
	[tilespmem:s26+$0xC110] =	vst v3  }
0x55: {  	s25 =	sadd.s32 s7, s25;
	[tilespmem:s26+$0xC120] =	vst v0  }
0x56: {  	[hbm4b:s25+s3] =	stream.linear.scatter [tilespmem:s20], [sflag:$0x4], $0x4000, $0x38;
	[tilespmem:$0x10100] =	vst v63  }
0x57: {  	s23 =	sadd.s32 $0x1, s23  }
0x58: {  	_ =	swait.ge [sflag:s21], $0x4000;
	p0 =	sne.s32 s23, s12  }
.Ltmp3:
0x59: {  	[sflag:s21] =	ssyncset.done $0x0;
	(pc) =	sbr.rel @p0 .LBB2_1-.Ltmp3, $4  }
0x5a: {  	[sflag:s21] =	ssyncadd.s32 $0xFFFFC000  }
0x5b: {  	_ =	swait.ge [sflag:s22], $0x4000  }
0x5c: {  	[sflag:s22] =	ssyncset.done $0x0  }
0x5d: {  	[sflag:s22] =	ssyncadd.s32 $0xFFFFC000  }
0x5e: {  	_ =	sfence.sel $0x180000  }
0x5f: {  	[bflag:$0x0] =	sbarrier.arrive $0xFFFF  }
0x60: {  	p0 =	sne.s32 s0, $0x0;
	_ =	strace $0x90000047  }
0x61: {  	s0 =	sadd.s32 @!p0 $0x100000, s1;
	[bflag:$0x2] =	sbarrier.arrive $0xFFFF  }
0x62: {  	[sflag:s0] =	ssyncadd.tile.s32 @!p0 $0x1;
	_ =	shalt  }
.Lfunc_end2:
_tile_overlayer_lowered:
.L_overlay_start_2:
0x63: {  	(tag) =	ssettag $0x2  }
0x64: {  	s0 =	rddreg [dreg:$0x0];
	s2 =	stileid.u32  }
0x65: {  	s1 =	rddreg [dreg:$0x1];
	p0 =	sne.s32 s2, $0x0  }
0x66: {  	s3 =	rddreg [dreg:$0x2];
	[bflag:$0x3] =	sbarrier.arrive $0xFFFF;
	s2 =	simm.s32 @!p0 $0x1C07  }
0x67: {  	[timem:s3], [sflag:s2] =	dma.local @!p0 [hbm:s0], s1  }
0x68: {  	s0 =	simm.s32 @!p0 $0x7  }
0x69: {  	_ =	swait.ge @!p0 [sflag:s0], s1  }
0x6a: {  	s1 =	ssub.s32 @!p0 $0x0, s1;
	[sflag:s0] =	ssyncset.done @!p0 $0x0  }
0x6b: {  	[sflag:s0] =	ssyncadd.s32 @!p0 s1  }
0x6c: {  	[bflag:$0x3] =	sbarrier.arrive $0xFFFF  }
0x6d: {  	_ =	shalt  }

// kernel: sparse-core-data-format-call.cloned.1.call-start
scs
called_computation_lowered:
.L_overlay_start_0:
0x0: {  	s2 =	sld [smem:$0x3FD9]  }
0x1: {  	s3 =	sld [smem:$0x3FFE];
	_ =	sdelay $0x1  }
0x2: {  	s1 =	srdreg.scid  }
0x3: {  	s0 =	sand.u32 $0x1, s1  }
0x4: {  	s18 =	sshll.u32 s0, $0xA;
	s2 =	sadd.s32 s3, s2  }
0x5: {  	s2 =	sadd.s32 s2, s18  }
0x6: {  	[smem:$0x3FC6] =	sst s2  }
0x7: {  	_ = 	snop  }
0x8: {  	s2 =	sld [smem:$0x3FD0];
	(tm) =	ssettm $0x1  }
0x9: {  	s19 =	sld [smem:$0x3FFB];
	_ =	sdelay $0x3  }
0xa: {  	_ =	strace s19  }
0xb: {  	s3 =	sld [smem:$0x3FFC];
	_ =	sdelay $0x3  }
0xc: {  	_ =	strace s3  }
0xd: {  	s3 =	sld [smem:$0x3FFD];
	_ =	sdelay $0x3  }
0xe: {  	_ =	strace s3  }
0xf: {  	_ =	strace $0x8FFFFFFF  }
0x10: {  	s20 =	sld [smem:$0x3FDB];
	_ =	sdelay $0x1  }
0x11: {  	s4 =	simm.s32 $_scs_section_size  }
0x12: {  	s5 =	simm.s32 $_size__tile_overlayer_lowered;
	s6 =	simm.s32 $_tile_overlayer_lowered  }
0x13: {  	s23 =	simm.s32 $0x1BFF;
	s22 =	sshll.u32 s6, $0x1;
	s3 =	sadd.s32 s4, s20  }
0x14: {  	s7 =	simm.s32 $0x0;
	s21 =	sshll.u32 s5, $0x1;
	s5 =	sadd.s32 s22, s3  }
0x15: {  	[timem:s7], [sflag:s23] =	dma.local [hbm:s5], s21  }
0x16: {  	_ =	swait.ge [sflag:s23], s21  }
0x17: {  	s4 =	ssub.s32 $0x0, s21;
	[sflag:s23] =	ssyncset.done $0x0  }
0x18: {  	[sflag:s23] =	ssyncadd.s32 s4;
	_ =	sdelay $0x1  }
0x19: {  	s24 =	simm.s32 $0x1B8B  }
0x1a: {  	_ =	swait.ge [sflag:s24], $0x1  }
0x1b: {  	[sflag:s24] =	ssyncset.done $0x0  }
0x1c: {  	s26 =	simm.s32 $0x1B8E;
	s25 =	sld [smem:$0x3FFE];
	[sflag:s24] =	ssyncadd.s32 $0xFFFFFFFF  }
0x1d: {  	s27 =	simm.s32 $execute0_lowered;
	[smem:$0x3FD2] =	sst s26  }
0x1e: {  	s5 =	sshll.u32 s27, $0x1;
	_ =	strace $0x80000049;
	[dreg:$0x1] =	wrdreg $0xFFFFFFFF  }
0x1f: {  	s28 =	simm.s32 $_size_execute0_lowered;
	s3 =	sadd.s32 s3, s5;
	[dreg:$0x0] =	wrdreg $0x0  }
0x20: {  	s5 =	sshll.u32 s28, $0x1;
	[dreg:$0x2] =	wrdreg s3  }
0x21: {  	[dreg:$0x3] =	wrdreg s5  }
0x22: {  	[dreg:$0x4] =	wrdreg $0xC0  }
0x23: {  	_ =	task [dreg:s7], $0x5FFFF  }
0x24: {  	[dreg:$0x1] =	wrdreg $0xFFFFFFFF  }
0x25: {  	[dreg:$0x0] =	wrdreg $0x60  }
0x26: {  	[dreg:$0x2] =	wrdreg s25  }
0x27: {  	[dreg:$0x3] =	wrdreg s2  }
0x28: {  	[dreg:$0x4] =	wrdreg $0x9  }
0x29: {  	_ =	task.clear_ibuf [dreg:s7], $0x5FFFF;
	_ =	strace $0x90000049  }
0x2a: {  	s29 =	simm.s32 $0x9;
	_ =	strace $0x8000004B  }
0x2b: {  	_ =	swait.ge [sflag:s29], $0x1  }
0x2c: {  	[sflag:s29] =	ssyncadd.s32 $0xFFFFFFFF  }
0x2d: {  	_ =	strace $0x9000004B  }
0x2e: {  	_ =	sfence  }
0x2f: {  	s30 =	sld [smem:$0x0];
	_ =	sdelay $0x2  }
0x30: {  	s31 =	sshll.u32 s1, $0xD;
	s1 =	sshrl.u32 s1, $0x2  }
0x31: {  	s3 =	sand.u32 $0x4000, s31;
	s1 =	sadd.s32 s1, s30  }
0x32: {  	s0 =	sor.u32 s3, s0;
	s1 =	sshll.u32 s1, $0x11  }
0x33: {  	s0 =	sor.u32 s1, s0  }
0x34: {  	s0 =	sadd.s32 $0x8F2B, s0  }
0x35: {  	[sflag:s0] =	ssyncadd.remote.s32 $0x1  }
0x36: {  	_ =	sfence.sel $0xFFFF  }
0x37: {  	[dreg:$0x0] =	wrdreg $0xFFFFFFFF;
	(pc) =	sbr.abs _section_cstart, $3  }
0x38: {  	[dreg:$0x1] =	wrdreg $0xFFFFFFFF  }
0x39: {  	_ =	task.clear_ibuf [dreg:s7], $0x2FFFF;
	_ =	strace $0x9FFFFFFF  }
0x3a: {  	(tm) =	ssettm $0x7FFFFFFF  }
0x3b: {  	_ =	shalt  }
tec
execute0_lowered:
.L_overlay_start_1:
0x0: {  	(tag) =	ssettag $0x1  }
0x1: {  	s0 =	srdreg.scid  }
0x2: {  	s1 =	sshll.u32 s0, $0x4  }
0x3: {  	s0 =	stileid.u32;
	s1 =	sand.u32 $0x10, s1  }
0x4: {  	s1 =	sor.u32 s0, s1  }
0x5: {  	s6 =	rddreg [dreg:$0x0];
	s4 =	simm.s32 $0x1;
	s2 =	sshll.u32 s1, $0x7  }
0x6: {  	s7 =	simm.s32 $0x2;
	s12 =	simm.s32 $0x0;
	s1 =	ssub.s32 $0x1000, s2  }
0x7: {  	s8 =	simm.s32 $0x8000;
	s13 =	simm.s32 $0x0;
	s3 =	sand.u32 $0xF80, s1  }
0x8: {  	s9 =	simm.s32 $0x0;
	s5 =	sshrl.u32 s1, $0xC;
	p0 =	sne.s32 s3, $0x0  }
.Ltmp0:
0x9: {  	s1 =	rddreg [dreg:$0x2];
	s4 =	simm.s32 @!p0 $0x0;
	(pc) =	sbr.rel .LBB1_1-.Ltmp0, $4  }
0xa: {  	s11 =	simm.s32 $0x0;
	s3 =	rddreg [dreg:$0x1];
	s5 =	sadd.s32 s4, s5  }
0xb: {  	_ =	strace $0x8000004A;
	s4 =	simm.s32 $0x1;
	s5 =	smul.u32 $0xC8, s5  }
0xc: {  	s6 =	sadd.s32 $0xA00, s6;
	s10 =	smov.u32 s2;
	[sflag:s4] =	ssyncpa.u1 $0x0  }
0xd: {  	p0 =	por $0x0, $0x0;
	[sflag:s7] =	ssyncpa.u1 $0x0;
	s7 =	sor.u32 $0x1, s5  }
.LBB1_4:
0xe: {  	s16 =	sshll.u32 s13, $0x3;
	s17 =	sand.u32 $0x78, s13  }
0xf: {  	s30 =	sand.u32 $0x7E00, s13;
	s12 =	sshll.u32 s12, $0xF;
	s16 =	sand.u32 $0xC00, s16  }
0x10: {  	[tilespmem:s15+$0x810 ss:$0x81] =	vst.msk $0xffff, v2;
	s31 =	sand.u32 $0x7, s13;
	s16 =	sor.u32 s17, s16;
	s17 =	sadd.s32 s3, s30  }
0x11: {  	[tilespmem:s15+$0x1020 ss:$0x81] =	vst.msk $0xffff, v0;
	s13 =	sshll.u32 s31, $0x12;
	s12 =	sadd.s32 s12, s17;
	s16 =	sshrl.u32 s16, $0x3  }
0x12: {  	[tilespmem:s15+$0x0 ss:$0x81] =	vst.msk $0xffff, v1;
	s13 =	sor.u32 $0x400, s13;
	s12 =	sadd.s32 s16, s12  }
0x13: {  	[hbm4b:s12+s13] =	stream.strided.scatter [tilespmem:s14], [sflag:$0x2], $0x2000, s8, s13, $0x20;
	[tilespmem:$0x8080] =	vst v63  }
.LBB1_5:
0x14: {  	s14 =	sadd.s32 $0x1, s9  }
0x15: {  	s12 =	sadd.s32 $0x1000, s10;
	s16 =	smov.u32 s10;
	p2 =	sgt.s32 s14, $0xC7  }
0x16: {  	s16 =	smov.u32 @p2 s12  }
0x17: {  	s14 =	simm.s32 @p2 $0x0;
	p2 =	sgt.s32 s16, $0xFFF  }
0x18: {  	s16 =	smov.u32 @p2 s2;
	p2 =	sne.s32 s11, s7  }
.Ltmp1:
0x19: {  	p1 =	slt.u32 s11, $0x2;
	(pc) =	sbr.rel @!p2 .LBB1_6-.Ltmp1, $4  }
0x1a: {  	s15 =	simm.s32 @!p1 $0x2  }
0x1b: {  	s13 =	smov.u32 s10;
	p0 =	por !p0, !p0;
	_ =	swait.ge @!p1 [sflag:s15], $0x2000  }
0x1c: {  	s12 =	smov.u32 s9;
	[sflag:s15] =	ssyncset.done @!p1 $0x0;
	s9 =	smov.u32 s14  }
0x1d: {  	s11 =	sadd.s32 $0x1, s11;
	[sflag:s15] =	ssyncadd.s32 @!p1 $0xFFFFE000;
	s10 =	smov.u32 s16  }
.LBB1_1:
0x1e: {  	p1 =	sge.u32 s11, s5  }
0x1f: {  	s14 =	sand.u32 @!p1 $0x1FFFFFF, s9  }
0x20: {  	s15 =	smulhi.u32 @!p1 $0x147AE15, s14;
	_ =	sdelay $0x1  }
0x21: {  	s15 =	smul.u32 @!p1 $0xC8, s15  }
0x22: {  	s16 =	sxor.u32 @!p1 $0xFFFFFFFF, s11;
	s17 =	smul.u32 @!p1 $0xC80, s10  }
0x23: {  	s31 =	sadd.s32 $0xFFFFFFFF, s11;
	s16 =	sshll.u32 @!p1 s16, $0xD;
	s14 =	ssub.s32 @!p1 s14, s15  }
0x24: {  	s15 =	sand.u32 @!p1 $0x2000, s16;
	s16 =	sadd.s32 @!p1 s6, s17;
	s14 =	sshll.u32 @!p1 s14, $0x4  }
0x25: {  	s17 =	simm.s32 @!p1 $0x6400;
	s14 =	sadd.s32 @!p1 s14, s16;
	s16 =	simm.s32 @!p1 $0x40  }
0x26: {  	[tilespmem:s15], [sflag:$0x1] =	stream.strided.gather @!p1 [hbm4b:s14+s16], $0x2000, s17, s16, $0x38;
	[tilespmem:$0x8080] =	vst v63  }
0x27: {  	p1 =	sge.u32 s31, s5  }
.Ltmp2:
0x28: {  	_ = 	snop;
	(pc) =	sbr.rel @p1 .LBB1_5-.Ltmp2, $1  }
0x29: {  	_ =	sdelay $0x3  }
0x2a: {  	s14 =	simm.s32 $0x1  }
0x2b: {  	_ =	swait.ge [sflag:s4], $0x2000;
	s14 =	simm.s32 @!p0 $0x0  }
0x2c: {  	[sflag:s4] =	ssyncset.done $0x0;
	s15 =	sshll.u32 s14, $0xD  }
0x2d: {  	[sflag:s4] =	ssyncadd.s32 $0xFFFFE000;
	s18 =	sor.u32 $0x20, s15  }
0x2e: {  	s14 =	smul.u32 $0x8100, s14;
	v3 =	vld [tilespmem:s18+$0x10]  }
0x2f: {  	s30 =	sand.u32 $0x1, s11;
	v2 =	vld [tilespmem:s18+$0xFFFFFFF0]  }
0x30: {  	s15 =	smul.u32 $0x8100, s30;
	s14 =	sshrl.u32 s14, $0x2;
	v0 =	vld [tilespmem:s18+$0x0]  }
0x31: {  	v1 =	vld [tilespmem:s18+$0xFFFFFFE0];
	s16 =	sor.u32 $0x4000, s14  }
0x32: {  	s31 =	sshrl.u32 s15, $0x2;
	s15 =	sadd.s32 $0x0, s16  }
0x33: {  	s17 =	simm.s32 $0x4;
	s18 =	sadd.s32 $0x40, s18;
	s14 =	sor.u32 $0x4000, s31;
	[tilespmem:s15+$0x1830 ss:$0x81] =	vst.msk $0xffff, v3  }
.LBB1_3:
0x34: {  	v3 =	vld [tilespmem:s18+$0x10];
	p1 =	sne.s32 s17, $0x1FC;
	[tilespmem:s15+$0x810 ss:$0x81] =	vst.msk $0xffff, v2;
	s19 =	smov.u32 s17;
	s17 =	sadd.s32 $0x4, s17  }
.Ltmp3:
0x35: {  	v2 =	vld [tilespmem:s18+$0xFFFFFFF0];
	[tilespmem:s15+$0x1020 ss:$0x81] =	vst.msk $0xffff, v0;
	(pc) =	sbr.rel @p1 .LBB1_3-.Ltmp3, $4  }
0x36: {  	v0 =	vld [tilespmem:s18+$0x0];
	[tilespmem:s15+$0x0 ss:$0x81] =	vst.msk $0xffff, v1  }
0x37: {  	s15 =	sshra.s32 s19, $0x2;
	v1 =	vld [tilespmem:s18+$0xFFFFFFE0]  }
0x38: {  	s15 =	sadd.s32 s15, s16  }
0x39: {  	s18 =	sadd.s32 $0x40, s18;
	[tilespmem:s15+$0x1830 ss:$0x81] =	vst.msk $0xffff, v3  }
.Ltmp4:
0x3a: {  	_ = 	snop;
	(pc) =	sbr.rel .LBB1_4-.Ltmp4, $1  }
0x3b: {  	_ =	sdelay $0x3  }
.LBB1_6:
0x3c: {  	_ =	sfence.sel $0x180000  }
0x3d: {  	s2 =	simm.s32 $0x1;
	[bflag:$0x0] =	sbarrier.arrive $0xFFFF  }
0x3e: {  	s31 =	simm.s32 $0x2;
	[sflag:s2] =	ssyncpa.u1 $0x1  }
0x3f: {  	[sflag:s31] =	ssyncpa.u1 $0x1  }
0x40: {  	p0 =	sne.s32 s0, $0x0;
	_ =	strace $0x9000004A  }
0x41: {  	s0 =	sadd.s32 @!p0 $0x100000, s1;
	[bflag:$0x2] =	sbarrier.arrive $0xFFFF  }
0x42: {  	[sflag:s0] =	ssyncadd.tile.s32 @!p0 $0x1;
	_ =	shalt  }
.Lfunc_end1:
_tile_overlayer_lowered:
.L_overlay_start_2:
0x43: {  	(tag) =	ssettag $0x2  }
0x44: {  	s0 =	rddreg [dreg:$0x0];
	s2 =	stileid.u32  }
0x45: {  	s1 =	rddreg [dreg:$0x1];
	p0 =	sne.s32 s2, $0x0  }
0x46: {  	s3 =	rddreg [dreg:$0x2];
	[bflag:$0x3] =	sbarrier.arrive $0xFFFF;
	s2 =	simm.s32 @!p0 $0x1C01  }
0x47: {  	[timem:s3], [sflag:s2] =	dma.local @!p0 [hbm:s0], s1  }
0x48: {  	s0 =	simm.s32 @!p0 $0x1  }
0x49: {  	_ =	swait.ge @!p0 [sflag:s0], s1  }
0x4a: {  	s1 =	ssub.s32 @!p0 $0x0, s1;
	[sflag:s0] =	ssyncset.done @!p0 $0x0  }
0x4b: {  	[sflag:s0] =	ssyncadd.s32 @!p0 s1  }
0x4c: {  	[bflag:$0x3] =	sbarrier.arrive $0xFFFF  }
0x4d: {  	_ =	shalt  }

</sc_bundles>
